<compile_context>
chip_gen: v7x
topology: tpu7x:2x2x1
jax: 0.10.2.dev20260603
libtpu: 0.0.44.dev20260713+nightly
codegen_flags: <defaults>
</compile_context>

<pallas_src>
import functools

import jax
import jax.numpy as jnp
from jax import lax
from jax.experimental import pallas as pl
from jax.experimental.pallas import tpu as pltpu
from jax.experimental.pallas import tpu_sc as plsc

_D = 512
_L2 = 0.0001
_NC = 2
_NS = 16
_LANES = 16
_NW = _NC * _NS
_RPW = _D // _NW
_NCH = _D // _LANES


def _rank_reg_body(trow_ref, p_ref, reg_ref):
    trow = trow_ref[...]
    a = jnp.broadcast_to(trow, (_D, _D))
    b = jnp.broadcast_to(jnp.transpose(trow), (_D, _D))
    ii = lax.broadcasted_iota(jnp.int32, (_D, _D), 1)
    jj = lax.broadcasted_iota(jnp.int32, (_D, _D), 0)
    ahead = (b < a) | ((b == a) & (jj < ii))
    p_ref[...] = jnp.sum(ahead.astype(jnp.int32), axis=0, keepdims=True)
    reg_ref[...] = jnp.broadcast_to(
        _L2 * jnp.sum(trow * trow, keepdims=True), (1, 128))


_rank_reg = pl.pallas_call(
    _rank_reg_body,
    out_shape=[
        jax.ShapeDtypeStruct((1, _D), jnp.int32),
        jax.ShapeDtypeStruct((1, 128), jnp.float32),
    ],
    out_specs=[
        pl.BlockSpec(memory_space=pltpu.VMEM),
        pl.BlockSpec(memory_space=pltpu.VMEM),
    ],
)


_NQ = 2


def _sc_gather_body(p_hbm, m_hbm, out_hbm, p_v, rows_v, out_v,
                    gather_sems, store_sems):
    wid = lax.axis_index("s") * _NC + lax.axis_index("c")
    base = wid * _RPW
    q = _RPW // _NQ
    pltpu.sync_copy(p_hbm, p_v)
    gathers = [
        pltpu.async_copy(m_hbm.at[p_v.at[pl.ds(base + i * q, q)]],
                         rows_v.at[pl.ds(i * q, q)], gather_sems[i])
        for i in range(_NQ)
    ]

    _GRP = 16

    cidx = tuple(p_v[pl.ds(c * _LANES, _LANES)] for c in range(_NCH))

    def _permute_rows(r0, r1):
        def body(r, idx):
            rvec = jnp.full((_LANES,), r, dtype=jnp.int32)
            for g in range(_NCH // _GRP):
                vals = [
                    plsc.load_gather(rows_v, [rvec, idx[g * _GRP + k]])
                    for k in range(_GRP)
                ]
                for k in range(_GRP):
                    out_v[r, pl.ds((g * _GRP + k) * _LANES, _LANES)] = vals[k]
            return idx
        lax.fori_loop(r0, r1, body, cidx)

    stores = []
    for i in range(_NQ):
        gathers[i].wait()
        _permute_rows(i * q, (i + 1) * q)
        if i < _NQ - 1:
            stores.append(
                pltpu.async_copy(out_v.at[pl.ds(i * q, q)],
                                 out_hbm.at[pl.ds(base + i * q, q)],
                                 store_sems[i]))
    pltpu.sync_copy(out_v.at[pl.ds((_NQ - 1) * q, q)],
                    out_hbm.at[pl.ds(base + (_NQ - 1) * q, q)])
    for s in stores:
        s.wait()


@functools.cache
def _sc_gather():
    return functools.partial(
        pl.kernel,
        out_type=jax.ShapeDtypeStruct((_D, _D), jnp.float32),
        mesh=plsc.VectorSubcoreMesh(core_axis_name="c", subcore_axis_name="s",
                                    num_cores=_NC, num_subcores=_NS),
        compiler_params=pltpu.CompilerParams(needs_layout_passes=False),
        scratch_types=[
            pltpu.VMEM((_D,), jnp.int32),
            pltpu.VMEM((_RPW, _D), jnp.float32),
            pltpu.VMEM((_RPW, _D), jnp.float32),
            tuple(pltpu.SemaphoreType.DMA for _ in range(_NQ)),
            tuple(pltpu.SemaphoreType.DMA for _ in range(_NQ - 1)),
        ],
    )(_sc_gather_body)


def kernel(theta, M):
    trow = theta.reshape(1, _D)
    p2d, reg2d = _rank_reg(trow)
    dag = _sc_gather()(p2d.reshape(_D), M)
    probs = jnp.ones(1, dtype=jnp.float32)
    return (probs, dag.reshape(1, _D, _D), reg2d[0, 0])

# --- scband reference (transcript-rebuilt; emitter-appended) ---
"""Pipeline reference for scband-score-vector-structure-57913339019997 (READ-ONLY COPY).

The authoritative reference and input builder live on the scoring server;
editing this copy changes nothing except your own understanding.
"""

import jax, jax.numpy as jnp
import numpy as np

D = 512
L2 = 0.0001


def setup_inputs() -> dict:
    # theta_init = arange(D) (distinct values -> deterministic argsort), unsqueezed to [D, 1]
    theta = jnp.arange(D, dtype=jnp.float32).reshape(D, 1)
    # buffer M = strict upper-triangular ones
    M = jnp.triu(jnp.ones((D, D), dtype=jnp.float32), k=1)
    return {"theta": theta, "M": M}


def reference(theta, M):
    # eval-mode forward path of _ScoreVectorStructure:
    # map(): inverse permutation of ascending argsort of theta
    sorted_indices = jnp.argsort(theta.reshape(-1))
    inverse_permutation = jnp.argsort(sorted_indices)
    orderings = inverse_permutation.reshape(1, -1)  # [1, D]
    # complete_graph_from_ordering: M[orderings[..., None], orderings[:, None]] -> [1, D, D]
    complete_dags = M[orderings[..., None], orderings[:, None, :]]
    # regularizer(): l2 * sum(theta**2)
    reg = L2 * jnp.sum(theta ** 2)
    probs = jnp.ones(1, dtype=jnp.float32)
    return (probs, complete_dags, reg)

if __name__ == "__main__":
    import jax
    _d = setup_inputs()
    print(jax.jit(kernel)(*tuple(_d.values())))

</pallas_src>

<mosaic_0001>
#map = affine_map<(d0, d1) -> (0)>
#map1 = affine_map<(d0, d1) -> (0, 0)>
module attributes {stable_mosaic.version = 14 : i64} {
  func.func @_sc_gather_body(%arg0: i32, %arg1: i32, %arg2: memref<512xi32, #tpu.memory_space<hbm>>, %arg3: memref<512x512xf32, #tpu.memory_space<hbm>>, %arg4: memref<512x512xf32, #tpu.memory_space<hbm>>, %arg5: memref<512xi32, #tpu.memory_space<vmem>>, %arg6: memref<16x512xf32, #tpu.memory_space<vmem>>, %arg7: memref<16x512xf32, #tpu.memory_space<vmem>>, %arg8: memref<!tpu.dma_semaphore, #tpu.memory_space<semaphore_mem>>, %arg9: memref<!tpu.dma_semaphore, #tpu.memory_space<semaphore_mem>>, %arg10: memref<!tpu.dma_semaphore, #tpu.memory_space<semaphore_mem>>) attributes {dimension_semantics = [#tpu.dimension_semantics<core_parallel>, #tpu.dimension_semantics<subcore_parallel>], iteration_bounds = array<i64: 2, 16>, scalar_prefetch = 0 : i64, scratch_operands = 6 : i64, tpu.core_type = #tpu.core_type<sc_vector_subcore>, window_params = [{transform_indices = #map}, {transform_indices = #map1}, {transform_indices = #map1}]} {
    %mul3A = arith.constant 2 : i32
    %mul3A_0 = arith.muli %arg1, %mul3A : i32
    %add3A = arith.addi %mul3A_0, %arg0 : i32
    %mul3A_1 = arith.constant 16 : i32
    %mul3A_2 = arith.muli %add3A, %mul3A_1 : i32
    "tpu.region"() ({
      %run_scoped3A = tpu.sem_alloc : memref<!tpu.dma_semaphore, #tpu.memory_space<semaphore_mem>>
      tpu.enqueue_dma source(%arg2 : memref<512xi32, #tpu.memory_space<hbm>>) target(%arg5 : memref<512xi32, #tpu.memory_space<vmem>>) target_semaphore(%run_scoped3A : memref<!tpu.dma_semaphore, #tpu.memory_space<semaphore_mem>>)
      tpu.wait_dma2 semaphore(%run_scoped3A : memref<!tpu.dma_semaphore, #tpu.memory_space<semaphore_mem>>) src(%arg2 : memref<512xi32, #tpu.memory_space<hbm>>) dst(%arg5 : memref<512xi32, #tpu.memory_space<vmem>>)
      tpu.yield
    }) : () -> ()
    %add3A_3 = arith.constant 0 : i32
    %add3A_4 = arith.addi %mul3A_2, %add3A_3 : i32
    %dma_start3A = arith.constant 0 : i32
    %dma_start3A_5 = arith.constant 0 : i32
    %dma_start3A_6 = tpu.memref_slice %arg6[%dma_start3A, %dma_start3A_5] : memref<16x512xf32, #tpu.memory_space<vmem>> -> memref<8x512xf32, #tpu.memory_space<vmem>>
    %dma_start3A_7 = tpu.memref_slice %arg5[%add3A_4] : memref<512xi32, #tpu.memory_space<vmem>> -> memref<8xi32, #tpu.memory_space<vmem>>
    %dma_start3A_8 = arith.constant 0 : i32
    %dma_start3A_9 = arith.constant 0 : i32
    %dma_start3A_10 = tpu.memref_slice %arg3[%dma_start3A_8, %dma_start3A_9] : memref<512x512xf32, #tpu.memory_space<hbm>> -> memref<512x512xf32, #tpu.memory_space<hbm>>
    tpu.enqueue_indirect_dma source(%dma_start3A_10 : memref<512x512xf32, #tpu.memory_space<hbm>>) target(%dma_start3A_6 : memref<8x512xf32, #tpu.memory_space<vmem>>) offsets(%dma_start3A_7 : memref<8xi32, #tpu.memory_space<vmem>>) semaphore(%arg8 : memref<!tpu.dma_semaphore, #tpu.memory_space<semaphore_mem>>)
    %add3A_11 = arith.constant 8 : i32
    %add3A_12 = arith.addi %mul3A_2, %add3A_11 : i32
    %dma_start3A_13 = arith.constant 8 : i32
    %dma_start3A_14 = arith.constant 0 : i32
    %dma_start3A_15 = tpu.memref_slice %arg6[%dma_start3A_13, %dma_start3A_14] : memref<16x512xf32, #tpu.memory_space<vmem>> -> memref<8x512xf32, #tpu.memory_space<vmem>>
    %dma_start3A_16 = tpu.memref_slice %arg5[%add3A_12] : memref<512xi32, #tpu.memory_space<vmem>> -> memref<8xi32, #tpu.memory_space<vmem>>
    %dma_start3A_17 = arith.constant 0 : i32
    %dma_start3A_18 = arith.constant 0 : i32
    %dma_start3A_19 = tpu.memref_slice %arg3[%dma_start3A_17, %dma_start3A_18] : memref<512x512xf32, #tpu.memory_space<hbm>> -> memref<512x512xf32, #tpu.memory_space<hbm>>
    tpu.enqueue_indirect_dma source(%dma_start3A_19 : memref<512x512xf32, #tpu.memory_space<hbm>>) target(%dma_start3A_15 : memref<8x512xf32, #tpu.memory_space<vmem>>) offsets(%dma_start3A_16 : memref<8xi32, #tpu.memory_space<vmem>>) semaphore(%arg9 : memref<!tpu.dma_semaphore, #tpu.memory_space<semaphore_mem>>)
    %get3A = arith.constant 0 : index
    %get3A_20 = tpu.vector_load %arg5[%get3A] {strides = array<i32>} : memref<512xi32, #tpu.memory_space<vmem>>, vector<16xi32>,
    %get3A_21 = arith.constant 16 : index
    %get3A_22 = tpu.vector_load %arg5[%get3A_21] {strides = array<i32>} : memref<512xi32, #tpu.memory_space<vmem>>, vector<16xi32>,
    %get3A_23 = arith.constant 32 : index
    %get3A_24 = tpu.vector_load %arg5[%get3A_23] {strides = array<i32>} : memref<512xi32, #tpu.memory_space<vmem>>, vector<16xi32>,
    %get3A_25 = arith.constant 48 : index
    %get3A_26 = tpu.vector_load %arg5[%get3A_25] {strides = array<i32>} : memref<512xi32, #tpu.memory_space<vmem>>, vector<16xi32>,
    %get3A_27 = arith.constant 64 : index
    %get3A_28 = tpu.vector_load %arg5[%get3A_27] {strides = array<i32>} : memref<512xi32, #tpu.memory_space<vmem>>, vector<16xi32>,
    %get3A_29 = arith.constant 80 : index
    %get3A_30 = tpu.vector_load %arg5[%get3A_29] {strides = array<i32>} : memref<512xi32, #tpu.memory_space<vmem>>, vector<16xi32>,
    %get3A_31 = arith.constant 96 : index
    %get3A_32 = tpu.vector_load %arg5[%get3A_31] {strides = array<i32>} : memref<512xi32, #tpu.memory_space<vmem>>, vector<16xi32>,
    %get3A_33 = arith.constant 112 : index
    %get3A_34 = tpu.vector_load %arg5[%get3A_33] {strides = array<i32>} : memref<512xi32, #tpu.memory_space<vmem>>, vector<16xi32>,
    %get3A_35 = arith.constant 128 : index
    %get3A_36 = tpu.vector_load %arg5[%get3A_35] {strides = array<i32>} : memref<512xi32, #tpu.memory_space<vmem>>, vector<16xi32>,
    %get3A_37 = arith.constant 144 : index
    %get3A_38 = tpu.vector_load %arg5[%get3A_37] {strides = array<i32>} : memref<512xi32, #tpu.memory_space<vmem>>, vector<16xi32>,
    %get3A_39 = arith.constant 160 : index
    %get3A_40 = tpu.vector_load %arg5[%get3A_39] {strides = array<i32>} : memref<512xi32, #tpu.memory_space<vmem>>, vector<16xi32>,
    %get3A_41 = arith.constant 176 : index
    %get3A_42 = tpu.vector_load %arg5[%get3A_41] {strides = array<i32>} : memref<512xi32, #tpu.memory_space<vmem>>, vector<16xi32>,
    %get3A_43 = arith.constant 192 : index
    %get3A_44 = tpu.vector_load %arg5[%get3A_43] {strides = array<i32>} : memref<512xi32, #tpu.memory_space<vmem>>, vector<16xi32>,
    %get3A_45 = arith.constant 208 : index
    %get3A_46 = tpu.vector_load %arg5[%get3A_45] {strides = array<i32>} : memref<512xi32, #tpu.memory_space<vmem>>, vector<16xi32>,
    %get3A_47 = arith.constant 224 : index
    %get3A_48 = tpu.vector_load %arg5[%get3A_47] {strides = array<i32>} : memref<512xi32, #tpu.memory_space<vmem>>, vector<16xi32>,
    %get3A_49 = arith.constant 240 : index
    %get3A_50 = tpu.vector_load %arg5[%get3A_49] {strides = array<i32>} : memref<512xi32, #tpu.memory_space<vmem>>, vector<16xi32>,
    %get3A_51 = arith.constant 256 : index
    %get3A_52 = tpu.vector_load %arg5[%get3A_51] {strides = array<i32>} : memref<512xi32, #tpu.memory_space<vmem>>, vector<16xi32>,
    %get3A_53 = arith.constant 272 : index
    %get3A_54 = tpu.vector_load %arg5[%get3A_53] {strides = array<i32>} : memref<512xi32, #tpu.memory_space<vmem>>, vector<16xi32>,
    %get3A_55 = arith.constant 288 : index
    %get3A_56 = tpu.vector_load %arg5[%get3A_55] {strides = array<i32>} : memref<512xi32, #tpu.memory_space<vmem>>, vector<16xi32>,
    %get3A_57 = arith.constant 304 : index
    %get3A_58 = tpu.vector_load %arg5[%get3A_57] {strides = array<i32>} : memref<512xi32, #tpu.memory_space<vmem>>, vector<16xi32>,
    %get3A_59 = arith.constant 320 : index
    %get3A_60 = tpu.vector_load %arg5[%get3A_59] {strides = array<i32>} : memref<512xi32, #tpu.memory_space<vmem>>, vector<16xi32>,
    %get3A_61 = arith.constant 336 : index
    %get3A_62 = tpu.vector_load %arg5[%get3A_61] {strides = array<i32>} : memref<512xi32, #tpu.memory_space<vmem>>, vector<16xi32>,
    %get3A_63 = arith.constant 352 : index
    %get3A_64 = tpu.vector_load %arg5[%get3A_63] {strides = array<i32>} : memref<512xi32, #tpu.memory_space<vmem>>, vector<16xi32>,
    %get3A_65 = arith.constant 368 : index
    %get3A_66 = tpu.vector_load %arg5[%get3A_65] {strides = array<i32>} : memref<512xi32, #tpu.memory_space<vmem>>, vector<16xi32>,
    %get3A_67 = arith.constant 384 : index
    %get3A_68 = tpu.vector_load %arg5[%get3A_67] {strides = array<i32>} : memref<512xi32, #tpu.memory_space<vmem>>, vector<16xi32>,
    %get3A_69 = arith.constant 400 : index
    %get3A_70 = tpu.vector_load %arg5[%get3A_69] {strides = array<i32>} : memref<512xi32, #tpu.memory_space<vmem>>, vector<16xi32>,
    %get3A_71 = arith.constant 416 : index
    %get3A_72 = tpu.vector_load %arg5[%get3A_71] {strides = array<i32>} : memref<512xi32, #tpu.memory_space<vmem>>, vector<16xi32>,
    %get3A_73 = arith.constant 432 : index
    %get3A_74 = tpu.vector_load %arg5[%get3A_73] {strides = array<i32>} : memref<512xi32, #tpu.memory_space<vmem>>, vector<16xi32>,
    %get3A_75 = arith.constant 448 : index
    %get3A_76 = tpu.vector_load %arg5[%get3A_75] {strides = array<i32>} : memref<512xi32, #tpu.memory_space<vmem>>, vector<16xi32>,
    %get3A_77 = arith.constant 464 : index
    %get3A_78 = tpu.vector_load %arg5[%get3A_77] {strides = array<i32>} : memref<512xi32, #tpu.memory_space<vmem>>, vector<16xi32>,
    %get3A_79 = arith.constant 480 : index
    %get3A_80 = tpu.vector_load %arg5[%get3A_79] {strides = array<i32>} : memref<512xi32, #tpu.memory_space<vmem>>, vector<16xi32>,
    %get3A_81 = arith.constant 496 : index
    %get3A_82 = tpu.vector_load %arg5[%get3A_81] {strides = array<i32>} : memref<512xi32, #tpu.memory_space<vmem>>, vector<16xi32>,
    %dma_wait3A = arith.constant 0 : i32
    %dma_wait3A_83 = arith.constant 0 : i32
    %dma_wait3A_84 = tpu.memref_slice %arg6[%dma_wait3A, %dma_wait3A_83] : memref<16x512xf32, #tpu.memory_space<vmem>> -> memref<8x512xf32, #tpu.memory_space<vmem>>
    %dma_wait3A_85 = tpu.memref_slice %arg5[%add3A_4] : memref<512xi32, #tpu.memory_space<vmem>> -> memref<8xi32, #tpu.memory_space<vmem>>
    %dma_wait3A_86 = arith.constant 0 : i32
    %dma_wait3A_87 = arith.constant 0 : i32
    %dma_wait3A_88 = tpu.memref_slice %arg3[%dma_wait3A_86, %dma_wait3A_87] : memref<512x512xf32, #tpu.memory_space<hbm>> -> memref<512x512xf32, #tpu.memory_space<hbm>>
    tpu.wait_indirect_dma semaphore(%arg8 : memref<!tpu.dma_semaphore, #tpu.memory_space<semaphore_mem>>) src(%dma_wait3A_88 : memref<512x512xf32, #tpu.memory_space<hbm>>) dst(%dma_wait3A_84 : memref<8x512xf32, #tpu.memory_space<vmem>>)
    %scan3A = arith.constant 0 : i32
    %scan3A_89 = arith.constant 8 : i32
    %scan3A_90 = arith.addi %scan3A, %scan3A_89 : i32
    %scan3A_91 = arith.constant 1 : i32
    scf.for %scan3A_129 = %scan3A to %scan3A_90 step %scan3A_91  : i32 {
      %broadcast_in_dim3A = vector.broadcast %scan3A_129 : i32 to vector<16xi32>
      %gather3A = tpu.vector_load_idx %arg6[%broadcast_in_dim3A, %get3A_20] : memref<16x512xf32, #tpu.memory_space<vmem>>[vector<16xi32>, vector<16xi32>], vector<16xf32>,
      %gather3A_130 = tpu.vector_load_idx %arg6[%broadcast_in_dim3A, %get3A_22] : memref<16x512xf32, #tpu.memory_space<vmem>>[vector<16xi32>, vector<16xi32>], vector<16xf32>,
      %gather3A_131 = tpu.vector_load_idx %arg6[%broadcast_in_dim3A, %get3A_24] : memref<16x512xf32, #tpu.memory_space<vmem>>[vector<16xi32>, vector<16xi32>], vector<16xf32>,
      %gather3A_132 = tpu.vector_load_idx %arg6[%broadcast_in_dim3A, %get3A_26] : memref<16x512xf32, #tpu.memory_space<vmem>>[vector<16xi32>, vector<16xi32>], vector<16xf32>,
      %gather3A_133 = tpu.vector_load_idx %arg6[%broadcast_in_dim3A, %get3A_28] : memref<16x512xf32, #tpu.memory_space<vmem>>[vector<16xi32>, vector<16xi32>], vector<16xf32>,
      %gather3A_134 = tpu.vector_load_idx %arg6[%broadcast_in_dim3A, %get3A_30] : memref<16x512xf32, #tpu.memory_space<vmem>>[vector<16xi32>, vector<16xi32>], vector<16xf32>,
      %gather3A_135 = tpu.vector_load_idx %arg6[%broadcast_in_dim3A, %get3A_32] : memref<16x512xf32, #tpu.memory_space<vmem>>[vector<16xi32>, vector<16xi32>], vector<16xf32>,
      %gather3A_136 = tpu.vector_load_idx %arg6[%broadcast_in_dim3A, %get3A_34] : memref<16x512xf32, #tpu.memory_space<vmem>>[vector<16xi32>, vector<16xi32>], vector<16xf32>,
      %gather3A_137 = tpu.vector_load_idx %arg6[%broadcast_in_dim3A, %get3A_36] : memref<16x512xf32, #tpu.memory_space<vmem>>[vector<16xi32>, vector<16xi32>], vector<16xf32>,
      %gather3A_138 = tpu.vector_load_idx %arg6[%broadcast_in_dim3A, %get3A_38] : memref<16x512xf32, #tpu.memory_space<vmem>>[vector<16xi32>, vector<16xi32>], vector<16xf32>,
      %gather3A_139 = tpu.vector_load_idx %arg6[%broadcast_in_dim3A, %get3A_40] : memref<16x512xf32, #tpu.memory_space<vmem>>[vector<16xi32>, vector<16xi32>], vector<16xf32>,
      %gather3A_140 = tpu.vector_load_idx %arg6[%broadcast_in_dim3A, %get3A_42] : memref<16x512xf32, #tpu.memory_space<vmem>>[vector<16xi32>, vector<16xi32>], vector<16xf32>,
      %gather3A_141 = tpu.vector_load_idx %arg6[%broadcast_in_dim3A, %get3A_44] : memref<16x512xf32, #tpu.memory_space<vmem>>[vector<16xi32>, vector<16xi32>], vector<16xf32>,
      %gather3A_142 = tpu.vector_load_idx %arg6[%broadcast_in_dim3A, %get3A_46] : memref<16x512xf32, #tpu.memory_space<vmem>>[vector<16xi32>, vector<16xi32>], vector<16xf32>,
      %gather3A_143 = tpu.vector_load_idx %arg6[%broadcast_in_dim3A, %get3A_48] : memref<16x512xf32, #tpu.memory_space<vmem>>[vector<16xi32>, vector<16xi32>], vector<16xf32>,
      %gather3A_144 = tpu.vector_load_idx %arg6[%broadcast_in_dim3A, %get3A_50] : memref<16x512xf32, #tpu.memory_space<vmem>>[vector<16xi32>, vector<16xi32>], vector<16xf32>,
      %swap3A = arith.index_cast %scan3A_129 : i32 to index
      %swap3A_145 = arith.constant 0 : index
      %swap3A_146 = tpu.vector_load %arg7[%swap3A, %swap3A_145] {strides = array<i32>} : memref<16x512xf32, #tpu.memory_space<vmem>>, vector<16xf32>,
      tpu.vector_store %arg7[%swap3A, %swap3A_145], %gather3A {strides = array<i32>} : memref<16x512xf32, #tpu.memory_space<vmem>>, vector<16xf32>,
      %swap3A_147 = arith.index_cast %scan3A_129 : i32 to index
      %swap3A_148 = arith.constant 16 : index
      %swap3A_149 = tpu.vector_load %arg7[%swap3A_147, %swap3A_148] {strides = array<i32>} : memref<16x512xf32, #tpu.memory_space<vmem>>, vector<16xf32>,
      tpu.vector_store %arg7[%swap3A_147, %swap3A_148], %gather3A_130 {strides = array<i32>} : memref<16x512xf32, #tpu.memory_space<vmem>>, vector<16xf32>,
      %swap3A_150 = arith.index_cast %scan3A_129 : i32 to index
      %swap3A_151 = arith.constant 32 : index
      %swap3A_152 = tpu.vector_load %arg7[%swap3A_150, %swap3A_151] {strides = array<i32>} : memref<16x512xf32, #tpu.memory_space<vmem>>, vector<16xf32>,
      tpu.vector_store %arg7[%swap3A_150, %swap3A_151], %gather3A_131 {strides = array<i32>} : memref<16x512xf32, #tpu.memory_space<vmem>>, vector<16xf32>,
      %swap3A_153 = arith.index_cast %scan3A_129 : i32 to index
      %swap3A_154 = arith.constant 48 : index
      %swap3A_155 = tpu.vector_load %arg7[%swap3A_153, %swap3A_154] {strides = array<i32>} : memref<16x512xf32, #tpu.memory_space<vmem>>, vector<16xf32>,
      tpu.vector_store %arg7[%swap3A_153, %swap3A_154], %gather3A_132 {strides = array<i32>} : memref<16x512xf32, #tpu.memory_space<vmem>>, vector<16xf32>,
      %swap3A_156 = arith.index_cast %scan3A_129 : i32 to index
      %swap3A_157 = arith.constant 64 : index
      %swap3A_158 = tpu.vector_load %arg7[%swap3A_156, %swap3A_157] {strides = array<i32>} : memref<16x512xf32, #tpu.memory_space<vmem>>, vector<16xf32>,
      tpu.vector_store %arg7[%swap3A_156, %swap3A_157], %gather3A_133 {strides = array<i32>} : memref<16x512xf32, #tpu.memory_space<vmem>>, vector<16xf32>,
      %swap3A_159 = arith.index_cast %scan3A_129 : i32 to index
      %swap3A_160 = arith.constant 80 : index
      %swap3A_161 = tpu.vector_load %arg7[%swap3A_159, %swap3A_160] {strides = array<i32>} : memref<16x512xf32, #tpu.memory_space<vmem>>, vector<16xf32>,
      tpu.vector_store %arg7[%swap3A_159, %swap3A_160], %gather3A_134 {strides = array<i32>} : memref<16x512xf32, #tpu.memory_space<vmem>>, vector<16xf32>,
      %swap3A_162 = arith.index_cast %scan3A_129 : i32 to index
      %swap3A_163 = arith.constant 96 : index
      %swap3A_164 = tpu.vector_load %arg7[%swap3A_162, %swap3A_163] {strides = array<i32>} : memref<16x512xf32, #tpu.memory_space<vmem>>, vector<16xf32>,
      tpu.vector_store %arg7[%swap3A_162, %swap3A_163], %gather3A_135 {strides = array<i32>} : memref<16x512xf32, #tpu.memory_space<vmem>>, vector<16xf32>,
      %swap3A_165 = arith.index_cast %scan3A_129 : i32 to index
      %swap3A_166 = arith.constant 112 : index
      %swap3A_167 = tpu.vector_load %arg7[%swap3A_165, %swap3A_166] {strides = array<i32>} : memref<16x512xf32, #tpu.memory_space<vmem>>, vector<16xf32>,
      tpu.vector_store %arg7[%swap3A_165, %swap3A_166], %gather3A_136 {strides = array<i32>} : memref<16x512xf32, #tpu.memory_space<vmem>>, vector<16xf32>,
      %swap3A_168 = arith.index_cast %scan3A_129 : i32 to index
      %swap3A_169 = arith.constant 128 : index
      %swap3A_170 = tpu.vector_load %arg7[%swap3A_168, %swap3A_169] {strides = array<i32>} : memref<16x512xf32, #tpu.memory_space<vmem>>, vector<16xf32>,
      tpu.vector_store %arg7[%swap3A_168, %swap3A_169], %gather3A_137 {strides = array<i32>} : memref<16x512xf32, #tpu.memory_space<vmem>>, vector<16xf32>,
      %swap3A_171 = arith.index_cast %scan3A_129 : i32 to index
      %swap3A_172 = arith.constant 144 : index
      %swap3A_173 = tpu.vector_load %arg7[%swap3A_171, %swap3A_172] {strides = array<i32>} : memref<16x512xf32, #tpu.memory_space<vmem>>, vector<16xf32>,
      tpu.vector_store %arg7[%swap3A_171, %swap3A_172], %gather3A_138 {strides = array<i32>} : memref<16x512xf32, #tpu.memory_space<vmem>>, vector<16xf32>,
      %swap3A_174 = arith.index_cast %scan3A_129 : i32 to index
      %swap3A_175 = arith.constant 160 : index
      %swap3A_176 = tpu.vector_load %arg7[%swap3A_174, %swap3A_175] {strides = array<i32>} : memref<16x512xf32, #tpu.memory_space<vmem>>, vector<16xf32>,
      tpu.vector_store %arg7[%swap3A_174, %swap3A_175], %gather3A_139 {strides = array<i32>} : memref<16x512xf32, #tpu.memory_space<vmem>>, vector<16xf32>,
      %swap3A_177 = arith.index_cast %scan3A_129 : i32 to index
      %swap3A_178 = arith.constant 176 : index
      %swap3A_179 = tpu.vector_load %arg7[%swap3A_177, %swap3A_178] {strides = array<i32>} : memref<16x512xf32, #tpu.memory_space<vmem>>, vector<16xf32>,
      tpu.vector_store %arg7[%swap3A_177, %swap3A_178], %gather3A_140 {strides = array<i32>} : memref<16x512xf32, #tpu.memory_space<vmem>>, vector<16xf32>,
      %swap3A_180 = arith.index_cast %scan3A_129 : i32 to index
      %swap3A_181 = arith.constant 192 : index
      %swap3A_182 = tpu.vector_load %arg7[%swap3A_180, %swap3A_181] {strides = array<i32>} : memref<16x512xf32, #tpu.memory_space<vmem>>, vector<16xf32>,
      tpu.vector_store %arg7[%swap3A_180, %swap3A_181], %gather3A_141 {strides = array<i32>} : memref<16x512xf32, #tpu.memory_space<vmem>>, vector<16xf32>,
      %swap3A_183 = arith.index_cast %scan3A_129 : i32 to index
      %swap3A_184 = arith.constant 208 : index
      %swap3A_185 = tpu.vector_load %arg7[%swap3A_183, %swap3A_184] {strides = array<i32>} : memref<16x512xf32, #tpu.memory_space<vmem>>, vector<16xf32>,
      tpu.vector_store %arg7[%swap3A_183, %swap3A_184], %gather3A_142 {strides = array<i32>} : memref<16x512xf32, #tpu.memory_space<vmem>>, vector<16xf32>,
      %swap3A_186 = arith.index_cast %scan3A_129 : i32 to index
      %swap3A_187 = arith.constant 224 : index
      %swap3A_188 = tpu.vector_load %arg7[%swap3A_186, %swap3A_187] {strides = array<i32>} : memref<16x512xf32, #tpu.memory_space<vmem>>, vector<16xf32>,
      tpu.vector_store %arg7[%swap3A_186, %swap3A_187], %gather3A_143 {strides = array<i32>} : memref<16x512xf32, #tpu.memory_space<vmem>>, vector<16xf32>,
      %swap3A_189 = arith.index_cast %scan3A_129 : i32 to index
      %swap3A_190 = arith.constant 240 : index
      %swap3A_191 = tpu.vector_load %arg7[%swap3A_189, %swap3A_190] {strides = array<i32>} : memref<16x512xf32, #tpu.memory_space<vmem>>, vector<16xf32>,
      tpu.vector_store %arg7[%swap3A_189, %swap3A_190], %gather3A_144 {strides = array<i32>} : memref<16x512xf32, #tpu.memory_space<vmem>>, vector<16xf32>,
      %gather3A_192 = tpu.vector_load_idx %arg6[%broadcast_in_dim3A, %get3A_52] : memref<16x512xf32, #tpu.memory_space<vmem>>[vector<16xi32>, vector<16xi32>], vector<16xf32>,
      %gather3A_193 = tpu.vector_load_idx %arg6[%broadcast_in_dim3A, %get3A_54] : memref<16x512xf32, #tpu.memory_space<vmem>>[vector<16xi32>, vector<16xi32>], vector<16xf32>,
      %gather3A_194 = tpu.vector_load_idx %arg6[%broadcast_in_dim3A, %get3A_56] : memref<16x512xf32, #tpu.memory_space<vmem>>[vector<16xi32>, vector<16xi32>], vector<16xf32>,
      %gather3A_195 = tpu.vector_load_idx %arg6[%broadcast_in_dim3A, %get3A_58] : memref<16x512xf32, #tpu.memory_space<vmem>>[vector<16xi32>, vector<16xi32>], vector<16xf32>,
      %gather3A_196 = tpu.vector_load_idx %arg6[%broadcast_in_dim3A, %get3A_60] : memref<16x512xf32, #tpu.memory_space<vmem>>[vector<16xi32>, vector<16xi32>], vector<16xf32>,
      %gather3A_197 = tpu.vector_load_idx %arg6[%broadcast_in_dim3A, %get3A_62] : memref<16x512xf32, #tpu.memory_space<vmem>>[vector<16xi32>, vector<16xi32>], vector<16xf32>,
      %gather3A_198 = tpu.vector_load_idx %arg6[%broadcast_in_dim3A, %get3A_64] : memref<16x512xf32, #tpu.memory_space<vmem>>[vector<16xi32>, vector<16xi32>], vector<16xf32>,
      %gather3A_199 = tpu.vector_load_idx %arg6[%broadcast_in_dim3A, %get3A_66] : memref<16x512xf32, #tpu.memory_space<vmem>>[vector<16xi32>, vector<16xi32>], vector<16xf32>,
      %gather3A_200 = tpu.vector_load_idx %arg6[%broadcast_in_dim3A, %get3A_68] : memref<16x512xf32, #tpu.memory_space<vmem>>[vector<16xi32>, vector<16xi32>], vector<16xf32>,
      %gather3A_201 = tpu.vector_load_idx %arg6[%broadcast_in_dim3A, %get3A_70] : memref<16x512xf32, #tpu.memory_space<vmem>>[vector<16xi32>, vector<16xi32>], vector<16xf32>,
      %gather3A_202 = tpu.vector_load_idx %arg6[%broadcast_in_dim3A, %get3A_72] : memref<16x512xf32, #tpu.memory_space<vmem>>[vector<16xi32>, vector<16xi32>], vector<16xf32>,
      %gather3A_203 = tpu.vector_load_idx %arg6[%broadcast_in_dim3A, %get3A_74] : memref<16x512xf32, #tpu.memory_space<vmem>>[vector<16xi32>, vector<16xi32>], vector<16xf32>,
      %gather3A_204 = tpu.vector_load_idx %arg6[%broadcast_in_dim3A, %get3A_76] : memref<16x512xf32, #tpu.memory_space<vmem>>[vector<16xi32>, vector<16xi32>], vector<16xf32>,
      %gather3A_205 = tpu.vector_load_idx %arg6[%broadcast_in_dim3A, %get3A_78] : memref<16x512xf32, #tpu.memory_space<vmem>>[vector<16xi32>, vector<16xi32>], vector<16xf32>,
      %gather3A_206 = tpu.vector_load_idx %arg6[%broadcast_in_dim3A, %get3A_80] : memref<16x512xf32, #tpu.memory_space<vmem>>[vector<16xi32>, vector<16xi32>], vector<16xf32>,
      %gather3A_207 = tpu.vector_load_idx %arg6[%broadcast_in_dim3A, %get3A_82] : memref<16x512xf32, #tpu.memory_space<vmem>>[vector<16xi32>, vector<16xi32>], vector<16xf32>,
      %swap3A_208 = arith.index_cast %scan3A_129 : i32 to index
      %swap3A_209 = arith.constant 256 : index
      %swap3A_210 = tpu.vector_load %arg7[%swap3A_208, %swap3A_209] {strides = array<i32>} : memref<16x512xf32, #tpu.memory_space<vmem>>, vector<16xf32>,
      tpu.vector_store %arg7[%swap3A_208, %swap3A_209], %gather3A_192 {strides = array<i32>} : memref<16x512xf32, #tpu.memory_space<vmem>>, vector<16xf32>,
      %swap3A_211 = arith.index_cast %scan3A_129 : i32 to index
      %swap3A_212 = arith.constant 272 : index
      %swap3A_213 = tpu.vector_load %arg7[%swap3A_211, %swap3A_212] {strides = array<i32>} : memref<16x512xf32, #tpu.memory_space<vmem>>, vector<16xf32>,
      tpu.vector_store %arg7[%swap3A_211, %swap3A_212], %gather3A_193 {strides = array<i32>} : memref<16x512xf32, #tpu.memory_space<vmem>>, vector<16xf32>,
      %swap3A_214 = arith.index_cast %scan3A_129 : i32 to index
      %swap3A_215 = arith.constant 288 : index
      %swap3A_216 = tpu.vector_load %arg7[%swap3A_214, %swap3A_215] {strides = array<i32>} : memref<16x512xf32, #tpu.memory_space<vmem>>, vector<16xf32>,
      tpu.vector_store %arg7[%swap3A_214, %swap3A_215], %gather3A_194 {strides = array<i32>} : memref<16x512xf32, #tpu.memory_space<vmem>>, vector<16xf32>,
      %swap3A_217 = arith.index_cast %scan3A_129 : i32 to index
      %swap3A_218 = arith.constant 304 : index
      %swap3A_219 = tpu.vector_load %arg7[%swap3A_217, %swap3A_218] {strides = array<i32>} : memref<16x512xf32, #tpu.memory_space<vmem>>, vector<16xf32>,
      tpu.vector_store %arg7[%swap3A_217, %swap3A_218], %gather3A_195 {strides = array<i32>} : memref<16x512xf32, #tpu.memory_space<vmem>>, vector<16xf32>,
      %swap3A_220 = arith.index_cast %scan3A_129 : i32 to index
      %swap3A_221 = arith.constant 320 : index
      %swap3A_222 = tpu.vector_load %arg7[%swap3A_220, %swap3A_221] {strides = array<i32>} : memref<16x512xf32, #tpu.memory_space<vmem>>, vector<16xf32>,
      tpu.vector_store %arg7[%swap3A_220, %swap3A_221], %gather3A_196 {strides = array<i32>} : memref<16x512xf32, #tpu.memory_space<vmem>>, vector<16xf32>,
      %swap3A_223 = arith.index_cast %scan3A_129 : i32 to index
      %swap3A_224 = arith.constant 336 : index
      %swap3A_225 = tpu.vector_load %arg7[%swap3A_223, %swap3A_224] {strides = array<i32>} : memref<16x512xf32, #tpu.memory_space<vmem>>, vector<16xf32>,
      tpu.vector_store %arg7[%swap3A_223, %swap3A_224], %gather3A_197 {strides = array<i32>} : memref<16x512xf32, #tpu.memory_space<vmem>>, vector<16xf32>,
      %swap3A_226 = arith.index_cast %scan3A_129 : i32 to index
      %swap3A_227 = arith.constant 352 : index
      %swap3A_228 = tpu.vector_load %arg7[%swap3A_226, %swap3A_227] {strides = array<i32>} : memref<16x512xf32, #tpu.memory_space<vmem>>, vector<16xf32>,
      tpu.vector_store %arg7[%swap3A_226, %swap3A_227], %gather3A_198 {strides = array<i32>} : memref<16x512xf32, #tpu.memory_space<vmem>>, vector<16xf32>,
      %swap3A_229 = arith.index_cast %scan3A_129 : i32 to index
      %swap3A_230 = arith.constant 368 : index
      %swap3A_231 = tpu.vector_load %arg7[%swap3A_229, %swap3A_230] {strides = array<i32>} : memref<16x512xf32, #tpu.memory_space<vmem>>, vector<16xf32>,
      tpu.vector_store %arg7[%swap3A_229, %swap3A_230], %gather3A_199 {strides = array<i32>} : memref<16x512xf32, #tpu.memory_space<vmem>>, vector<16xf32>,
      %swap3A_232 = arith.index_cast %scan3A_129 : i32 to index
      %swap3A_233 = arith.constant 384 : index
      %swap3A_234 = tpu.vector_load %arg7[%swap3A_232, %swap3A_233] {strides = array<i32>} : memref<16x512xf32, #tpu.memory_space<vmem>>, vector<16xf32>,
      tpu.vector_store %arg7[%swap3A_232, %swap3A_233], %gather3A_200 {strides = array<i32>} : memref<16x512xf32, #tpu.memory_space<vmem>>, vector<16xf32>,
      %swap3A_235 = arith.index_cast %scan3A_129 : i32 to index
      %swap3A_236 = arith.constant 400 : index
      %swap3A_237 = tpu.vector_load %arg7[%swap3A_235, %swap3A_236] {strides = array<i32>} : memref<16x512xf32, #tpu.memory_space<vmem>>, vector<16xf32>,
      tpu.vector_store %arg7[%swap3A_235, %swap3A_236], %gather3A_201 {strides = array<i32>} : memref<16x512xf32, #tpu.memory_space<vmem>>, vector<16xf32>,
      %swap3A_238 = arith.index_cast %scan3A_129 : i32 to index
      %swap3A_239 = arith.constant 416 : index
      %swap3A_240 = tpu.vector_load %arg7[%swap3A_238, %swap3A_239] {strides = array<i32>} : memref<16x512xf32, #tpu.memory_space<vmem>>, vector<16xf32>,
      tpu.vector_store %arg7[%swap3A_238, %swap3A_239], %gather3A_202 {strides = array<i32>} : memref<16x512xf32, #tpu.memory_space<vmem>>, vector<16xf32>,
      %swap3A_241 = arith.index_cast %scan3A_129 : i32 to index
      %swap3A_242 = arith.constant 432 : index
      %swap3A_243 = tpu.vector_load %arg7[%swap3A_241, %swap3A_242] {strides = array<i32>} : memref<16x512xf32, #tpu.memory_space<vmem>>, vector<16xf32>,
      tpu.vector_store %arg7[%swap3A_241, %swap3A_242], %gather3A_203 {strides = array<i32>} : memref<16x512xf32, #tpu.memory_space<vmem>>, vector<16xf32>,
      %swap3A_244 = arith.index_cast %scan3A_129 : i32 to index
      %swap3A_245 = arith.constant 448 : index
      %swap3A_246 = tpu.vector_load %arg7[%swap3A_244, %swap3A_245] {strides = array<i32>} : memref<16x512xf32, #tpu.memory_space<vmem>>, vector<16xf32>,
      tpu.vector_store %arg7[%swap3A_244, %swap3A_245], %gather3A_204 {strides = array<i32>} : memref<16x512xf32, #tpu.memory_space<vmem>>, vector<16xf32>,
      %swap3A_247 = arith.index_cast %scan3A_129 : i32 to index
      %swap3A_248 = arith.constant 464 : index
      %swap3A_249 = tpu.vector_load %arg7[%swap3A_247, %swap3A_248] {strides = array<i32>} : memref<16x512xf32, #tpu.memory_space<vmem>>, vector<16xf32>,
      tpu.vector_store %arg7[%swap3A_247, %swap3A_248], %gather3A_205 {strides = array<i32>} : memref<16x512xf32, #tpu.memory_space<vmem>>, vector<16xf32>,
      %swap3A_250 = arith.index_cast %scan3A_129 : i32 to index
      %swap3A_251 = arith.constant 480 : index
      %swap3A_252 = tpu.vector_load %arg7[%swap3A_250, %swap3A_251] {strides = array<i32>} : memref<16x512xf32, #tpu.memory_space<vmem>>, vector<16xf32>,
      tpu.vector_store %arg7[%swap3A_250, %swap3A_251], %gather3A_206 {strides = array<i32>} : memref<16x512xf32, #tpu.memory_space<vmem>>, vector<16xf32>,
      %swap3A_253 = arith.index_cast %scan3A_129 : i32 to index
      %swap3A_254 = arith.constant 496 : index
      %swap3A_255 = tpu.vector_load %arg7[%swap3A_253, %swap3A_254] {strides = array<i32>} : memref<16x512xf32, #tpu.memory_space<vmem>>, vector<16xf32>,
      tpu.vector_store %arg7[%swap3A_253, %swap3A_254], %gather3A_207 {strides = array<i32>} : memref<16x512xf32, #tpu.memory_space<vmem>>, vector<16xf32>,
    }
    %scan3A_92 = arith.constant 8 : i32
    %add3A_93 = arith.constant 0 : i32
    %add3A_94 = arith.addi %mul3A_2, %add3A_93 : i32
    %dma_start3A_95 = arith.constant 0 : i32
    %dma_start3A_96 = arith.constant 0 : i32
    %dma_start3A_97 = tpu.memref_slice %arg7[%dma_start3A_95, %dma_start3A_96] : memref<16x512xf32, #tpu.memory_space<vmem>> -> memref<8x512xf32, #tpu.memory_space<vmem>>
    %dma_start3A_98 = arith.constant 0 : i32
    %dma_start3A_99 = tpu.memref_slice %arg4[%add3A_94, %dma_start3A_98] : memref<512x512xf32, #tpu.memory_space<hbm>> -> memref<8x512xf32, #tpu.memory_space<hbm>>
    %dma_start3A_100 = arith.constant 0 : i32
    %dma_start3A_101 = tpu.memref_slice %arg4[%add3A_94, %dma_start3A_100] : memref<512x512xf32, #tpu.memory_space<hbm>> -> memref<8x512xf32, #tpu.memory_space<hbm>>
    %dma_start3A_102 = arith.constant 0 : i32
    %dma_start3A_103 = arith.constant 0 : i32
    %dma_start3A_104 = tpu.memref_slice %arg7[%dma_start3A_102, %dma_start3A_103] : memref<16x512xf32, #tpu.memory_space<vmem>> -> memref<8x512xf32, #tpu.memory_space<vmem>>
    tpu.enqueue_dma source(%dma_start3A_104 : memref<8x512xf32, #tpu.memory_space<vmem>>) target(%dma_start3A_101 : memref<8x512xf32, #tpu.memory_space<hbm>>) target_semaphore(%arg10 : memref<!tpu.dma_semaphore, #tpu.memory_space<semaphore_mem>>)
    %dma_wait3A_105 = arith.constant 8 : i32
    %dma_wait3A_106 = arith.constant 0 : i32
    %dma_wait3A_107 = tpu.memref_slice %arg6[%dma_wait3A_105, %dma_wait3A_106] : memref<16x512xf32, #tpu.memory_space<vmem>> -> memref<8x512xf32, #tpu.memory_space<vmem>>
    %dma_wait3A_108 = tpu.memref_slice %arg5[%add3A_12] : memref<512xi32, #tpu.memory_space<vmem>> -> memref<8xi32, #tpu.memory_space<vmem>>
    %dma_wait3A_109 = arith.constant 0 : i32
    %dma_wait3A_110 = arith.constant 0 : i32
    %dma_wait3A_111 = tpu.memref_slice %arg3[%dma_wait3A_109, %dma_wait3A_110] : memref<512x512xf32, #tpu.memory_space<hbm>> -> memref<512x512xf32, #tpu.memory_space<hbm>>
    tpu.wait_indirect_dma semaphore(%arg9 : memref<!tpu.dma_semaphore, #tpu.memory_space<semaphore_mem>>) src(%dma_wait3A_111 : memref<512x512xf32, #tpu.memory_space<hbm>>) dst(%dma_wait3A_107 : memref<8x512xf32, #tpu.memory_space<vmem>>)
    %scan3A_112 = arith.constant 8 : i32
    %scan3A_113 = arith.constant 8 : i32
    %scan3A_114 = arith.addi %scan3A_112, %scan3A_113 : i32
    %scan3A_115 = arith.constant 1 : i32
    scf.for %scan3A_129 = %scan3A_112 to %scan3A_114 step %scan3A_115  : i32 {
      %broadcast_in_dim3A = vector.broadcast %scan3A_129 : i32 to vector<16xi32>
      %gather3A = tpu.vector_load_idx %arg6[%broadcast_in_dim3A, %get3A_20] : memref<16x512xf32, #tpu.memory_space<vmem>>[vector<16xi32>, vector<16xi32>], vector<16xf32>,
      %gather3A_130 = tpu.vector_load_idx %arg6[%broadcast_in_dim3A, %get3A_22] : memref<16x512xf32, #tpu.memory_space<vmem>>[vector<16xi32>, vector<16xi32>], vector<16xf32>,
      %gather3A_131 = tpu.vector_load_idx %arg6[%broadcast_in_dim3A, %get3A_24] : memref<16x512xf32, #tpu.memory_space<vmem>>[vector<16xi32>, vector<16xi32>], vector<16xf32>,
      %gather3A_132 = tpu.vector_load_idx %arg6[%broadcast_in_dim3A, %get3A_26] : memref<16x512xf32, #tpu.memory_space<vmem>>[vector<16xi32>, vector<16xi32>], vector<16xf32>,
      %gather3A_133 = tpu.vector_load_idx %arg6[%broadcast_in_dim3A, %get3A_28] : memref<16x512xf32, #tpu.memory_space<vmem>>[vector<16xi32>, vector<16xi32>], vector<16xf32>,
      %gather3A_134 = tpu.vector_load_idx %arg6[%broadcast_in_dim3A, %get3A_30] : memref<16x512xf32, #tpu.memory_space<vmem>>[vector<16xi32>, vector<16xi32>], vector<16xf32>,
      %gather3A_135 = tpu.vector_load_idx %arg6[%broadcast_in_dim3A, %get3A_32] : memref<16x512xf32, #tpu.memory_space<vmem>>[vector<16xi32>, vector<16xi32>], vector<16xf32>,
      %gather3A_136 = tpu.vector_load_idx %arg6[%broadcast_in_dim3A, %get3A_34] : memref<16x512xf32, #tpu.memory_space<vmem>>[vector<16xi32>, vector<16xi32>], vector<16xf32>,
      %gather3A_137 = tpu.vector_load_idx %arg6[%broadcast_in_dim3A, %get3A_36] : memref<16x512xf32, #tpu.memory_space<vmem>>[vector<16xi32>, vector<16xi32>], vector<16xf32>,
      %gather3A_138 = tpu.vector_load_idx %arg6[%broadcast_in_dim3A, %get3A_38] : memref<16x512xf32, #tpu.memory_space<vmem>>[vector<16xi32>, vector<16xi32>], vector<16xf32>,
      %gather3A_139 = tpu.vector_load_idx %arg6[%broadcast_in_dim3A, %get3A_40] : memref<16x512xf32, #tpu.memory_space<vmem>>[vector<16xi32>, vector<16xi32>], vector<16xf32>,
      %gather3A_140 = tpu.vector_load_idx %arg6[%broadcast_in_dim3A, %get3A_42] : memref<16x512xf32, #tpu.memory_space<vmem>>[vector<16xi32>, vector<16xi32>], vector<16xf32>,
      %gather3A_141 = tpu.vector_load_idx %arg6[%broadcast_in_dim3A, %get3A_44] : memref<16x512xf32, #tpu.memory_space<vmem>>[vector<16xi32>, vector<16xi32>], vector<16xf32>,
      %gather3A_142 = tpu.vector_load_idx %arg6[%broadcast_in_dim3A, %get3A_46] : memref<16x512xf32, #tpu.memory_space<vmem>>[vector<16xi32>, vector<16xi32>], vector<16xf32>,
      %gather3A_143 = tpu.vector_load_idx %arg6[%broadcast_in_dim3A, %get3A_48] : memref<16x512xf32, #tpu.memory_space<vmem>>[vector<16xi32>, vector<16xi32>], vector<16xf32>,
      %gather3A_144 = tpu.vector_load_idx %arg6[%broadcast_in_dim3A, %get3A_50] : memref<16x512xf32, #tpu.memory_space<vmem>>[vector<16xi32>, vector<16xi32>], vector<16xf32>,
      %swap3A = arith.index_cast %scan3A_129 : i32 to index
      %swap3A_145 = arith.constant 0 : index
      %swap3A_146 = tpu.vector_load %arg7[%swap3A, %swap3A_145] {strides = array<i32>} : memref<16x512xf32, #tpu.memory_space<vmem>>, vector<16xf32>,
      tpu.vector_store %arg7[%swap3A, %swap3A_145], %gather3A {strides = array<i32>} : memref<16x512xf32, #tpu.memory_space<vmem>>, vector<16xf32>,
      %swap3A_147 = arith.index_cast %scan3A_129 : i32 to index
      %swap3A_148 = arith.constant 16 : index
      %swap3A_149 = tpu.vector_load %arg7[%swap3A_147, %swap3A_148] {strides = array<i32>} : memref<16x512xf32, #tpu.memory_space<vmem>>, vector<16xf32>,
      tpu.vector_store %arg7[%swap3A_147, %swap3A_148], %gather3A_130 {strides = array<i32>} : memref<16x512xf32, #tpu.memory_space<vmem>>, vector<16xf32>,
      %swap3A_150 = arith.index_cast %scan3A_129 : i32 to index
      %swap3A_151 = arith.constant 32 : index
      %swap3A_152 = tpu.vector_load %arg7[%swap3A_150, %swap3A_151] {strides = array<i32>} : memref<16x512xf32, #tpu.memory_space<vmem>>, vector<16xf32>,
      tpu.vector_store %arg7[%swap3A_150, %swap3A_151], %gather3A_131 {strides = array<i32>} : memref<16x512xf32, #tpu.memory_space<vmem>>, vector<16xf32>,
      %swap3A_153 = arith.index_cast %scan3A_129 : i32 to index
      %swap3A_154 = arith.constant 48 : index
      %swap3A_155 = tpu.vector_load %arg7[%swap3A_153, %swap3A_154] {strides = array<i32>} : memref<16x512xf32, #tpu.memory_space<vmem>>, vector<16xf32>,
      tpu.vector_store %arg7[%swap3A_153, %swap3A_154], %gather3A_132 {strides = array<i32>} : memref<16x512xf32, #tpu.memory_space<vmem>>, vector<16xf32>,
      %swap3A_156 = arith.index_cast %scan3A_129 : i32 to index
      %swap3A_157 = arith.constant 64 : index
      %swap3A_158 = tpu.vector_load %arg7[%swap3A_156, %swap3A_157] {strides = array<i32>} : memref<16x512xf32, #tpu.memory_space<vmem>>, vector<16xf32>,
      tpu.vector_store %arg7[%swap3A_156, %swap3A_157], %gather3A_133 {strides = array<i32>} : memref<16x512xf32, #tpu.memory_space<vmem>>, vector<16xf32>,
      %swap3A_159 = arith.index_cast %scan3A_129 : i32 to index
      %swap3A_160 = arith.constant 80 : index
      %swap3A_161 = tpu.vector_load %arg7[%swap3A_159, %swap3A_160] {strides = array<i32>} : memref<16x512xf32, #tpu.memory_space<vmem>>, vector<16xf32>,
      tpu.vector_store %arg7[%swap3A_159, %swap3A_160], %gather3A_134 {strides = array<i32>} : memref<16x512xf32, #tpu.memory_space<vmem>>, vector<16xf32>,
      %swap3A_162 = arith.index_cast %scan3A_129 : i32 to index
      %swap3A_163 = arith.constant 96 : index
      %swap3A_164 = tpu.vector_load %arg7[%swap3A_162, %swap3A_163] {strides = array<i32>} : memref<16x512xf32, #tpu.memory_space<vmem>>, vector<16xf32>,
      tpu.vector_store %arg7[%swap3A_162, %swap3A_163], %gather3A_135 {strides = array<i32>} : memref<16x512xf32, #tpu.memory_space<vmem>>, vector<16xf32>,
      %swap3A_165 = arith.index_cast %scan3A_129 : i32 to index
      %swap3A_166 = arith.constant 112 : index
      %swap3A_167 = tpu.vector_load %arg7[%swap3A_165, %swap3A_166] {strides = array<i32>} : memref<16x512xf32, #tpu.memory_space<vmem>>, vector<16xf32>,
      tpu.vector_store %arg7[%swap3A_165, %swap3A_166], %gather3A_136 {strides = array<i32>} : memref<16x512xf32, #tpu.memory_space<vmem>>, vector<16xf32>,
      %swap3A_168 = arith.index_cast %scan3A_129 : i32 to index
      %swap3A_169 = arith.constant 128 : index
      %swap3A_170 = tpu.vector_load %arg7[%swap3A_168, %swap3A_169] {strides = array<i32>} : memref<16x512xf32, #tpu.memory_space<vmem>>, vector<16xf32>,
      tpu.vector_store %arg7[%swap3A_168, %swap3A_169], %gather3A_137 {strides = array<i32>} : memref<16x512xf32, #tpu.memory_space<vmem>>, vector<16xf32>,
      %swap3A_171 = arith.index_cast %scan3A_129 : i32 to index
      %swap3A_172 = arith.constant 144 : index
      %swap3A_173 = tpu.vector_load %arg7[%swap3A_171, %swap3A_172] {strides = array<i32>} : memref<16x512xf32, #tpu.memory_space<vmem>>, vector<16xf32>,
      tpu.vector_store %arg7[%swap3A_171, %swap3A_172], %gather3A_138 {strides = array<i32>} : memref<16x512xf32, #tpu.memory_space<vmem>>, vector<16xf32>,
      %swap3A_174 = arith.index_cast %scan3A_129 : i32 to index
      %swap3A_175 = arith.constant 160 : index
      %swap3A_176 = tpu.vector_load %arg7[%swap3A_174, %swap3A_175] {strides = array<i32>} : memref<16x512xf32, #tpu.memory_space<vmem>>, vector<16xf32>,
      tpu.vector_store %arg7[%swap3A_174, %swap3A_175], %gather3A_139 {strides = array<i32>} : memref<16x512xf32, #tpu.memory_space<vmem>>, vector<16xf32>,
      %swap3A_177 = arith.index_cast %scan3A_129 : i32 to index
      %swap3A_178 = arith.constant 176 : index
      %swap3A_179 = tpu.vector_load %arg7[%swap3A_177, %swap3A_178] {strides = array<i32>} : memref<16x512xf32, #tpu.memory_space<vmem>>, vector<16xf32>,
      tpu.vector_store %arg7[%swap3A_177, %swap3A_178], %gather3A_140 {strides = array<i32>} : memref<16x512xf32, #tpu.memory_space<vmem>>, vector<16xf32>,
      %swap3A_180 = arith.index_cast %scan3A_129 : i32 to index
      %swap3A_181 = arith.constant 192 : index
      %swap3A_182 = tpu.vector_load %arg7[%swap3A_180, %swap3A_181] {strides = array<i32>} : memref<16x512xf32, #tpu.memory_space<vmem>>, vector<16xf32>,
      tpu.vector_store %arg7[%swap3A_180, %swap3A_181], %gather3A_141 {strides = array<i32>} : memref<16x512xf32, #tpu.memory_space<vmem>>, vector<16xf32>,
      %swap3A_183 = arith.index_cast %scan3A_129 : i32 to index
      %swap3A_184 = arith.constant 208 : index
      %swap3A_185 = tpu.vector_load %arg7[%swap3A_183, %swap3A_184] {strides = array<i32>} : memref<16x512xf32, #tpu.memory_space<vmem>>, vector<16xf32>,
      tpu.vector_store %arg7[%swap3A_183, %swap3A_184], %gather3A_142 {strides = array<i32>} : memref<16x512xf32, #tpu.memory_space<vmem>>, vector<16xf32>,
      %swap3A_186 = arith.index_cast %scan3A_129 : i32 to index
      %swap3A_187 = arith.constant 224 : index
      %swap3A_188 = tpu.vector_load %arg7[%swap3A_186, %swap3A_187] {strides = array<i32>} : memref<16x512xf32, #tpu.memory_space<vmem>>, vector<16xf32>,
      tpu.vector_store %arg7[%swap3A_186, %swap3A_187], %gather3A_143 {strides = array<i32>} : memref<16x512xf32, #tpu.memory_space<vmem>>, vector<16xf32>,
      %swap3A_189 = arith.index_cast %scan3A_129 : i32 to index
      %swap3A_190 = arith.constant 240 : index
      %swap3A_191 = tpu.vector_load %arg7[%swap3A_189, %swap3A_190] {strides = array<i32>} : memref<16x512xf32, #tpu.memory_space<vmem>>, vector<16xf32>,
      tpu.vector_store %arg7[%swap3A_189, %swap3A_190], %gather3A_144 {strides = array<i32>} : memref<16x512xf32, #tpu.memory_space<vmem>>, vector<16xf32>,
      %gather3A_192 = tpu.vector_load_idx %arg6[%broadcast_in_dim3A, %get3A_52] : memref<16x512xf32, #tpu.memory_space<vmem>>[vector<16xi32>, vector<16xi32>], vector<16xf32>,
      %gather3A_193 = tpu.vector_load_idx %arg6[%broadcast_in_dim3A, %get3A_54] : memref<16x512xf32, #tpu.memory_space<vmem>>[vector<16xi32>, vector<16xi32>], vector<16xf32>,
      %gather3A_194 = tpu.vector_load_idx %arg6[%broadcast_in_dim3A, %get3A_56] : memref<16x512xf32, #tpu.memory_space<vmem>>[vector<16xi32>, vector<16xi32>], vector<16xf32>,
      %gather3A_195 = tpu.vector_load_idx %arg6[%broadcast_in_dim3A, %get3A_58] : memref<16x512xf32, #tpu.memory_space<vmem>>[vector<16xi32>, vector<16xi32>], vector<16xf32>,
      %gather3A_196 = tpu.vector_load_idx %arg6[%broadcast_in_dim3A, %get3A_60] : memref<16x512xf32, #tpu.memory_space<vmem>>[vector<16xi32>, vector<16xi32>], vector<16xf32>,
      %gather3A_197 = tpu.vector_load_idx %arg6[%broadcast_in_dim3A, %get3A_62] : memref<16x512xf32, #tpu.memory_space<vmem>>[vector<16xi32>, vector<16xi32>], vector<16xf32>,
      %gather3A_198 = tpu.vector_load_idx %arg6[%broadcast_in_dim3A, %get3A_64] : memref<16x512xf32, #tpu.memory_space<vmem>>[vector<16xi32>, vector<16xi32>], vector<16xf32>,
      %gather3A_199 = tpu.vector_load_idx %arg6[%broadcast_in_dim3A, %get3A_66] : memref<16x512xf32, #tpu.memory_space<vmem>>[vector<16xi32>, vector<16xi32>], vector<16xf32>,
      %gather3A_200 = tpu.vector_load_idx %arg6[%broadcast_in_dim3A, %get3A_68] : memref<16x512xf32, #tpu.memory_space<vmem>>[vector<16xi32>, vector<16xi32>], vector<16xf32>,
      %gather3A_201 = tpu.vector_load_idx %arg6[%broadcast_in_dim3A, %get3A_70] : memref<16x512xf32, #tpu.memory_space<vmem>>[vector<16xi32>, vector<16xi32>], vector<16xf32>,
      %gather3A_202 = tpu.vector_load_idx %arg6[%broadcast_in_dim3A, %get3A_72] : memref<16x512xf32, #tpu.memory_space<vmem>>[vector<16xi32>, vector<16xi32>], vector<16xf32>,
      %gather3A_203 = tpu.vector_load_idx %arg6[%broadcast_in_dim3A, %get3A_74] : memref<16x512xf32, #tpu.memory_space<vmem>>[vector<16xi32>, vector<16xi32>], vector<16xf32>,
      %gather3A_204 = tpu.vector_load_idx %arg6[%broadcast_in_dim3A, %get3A_76] : memref<16x512xf32, #tpu.memory_space<vmem>>[vector<16xi32>, vector<16xi32>], vector<16xf32>,
      %gather3A_205 = tpu.vector_load_idx %arg6[%broadcast_in_dim3A, %get3A_78] : memref<16x512xf32, #tpu.memory_space<vmem>>[vector<16xi32>, vector<16xi32>], vector<16xf32>,
      %gather3A_206 = tpu.vector_load_idx %arg6[%broadcast_in_dim3A, %get3A_80] : memref<16x512xf32, #tpu.memory_space<vmem>>[vector<16xi32>, vector<16xi32>], vector<16xf32>,
      %gather3A_207 = tpu.vector_load_idx %arg6[%broadcast_in_dim3A, %get3A_82] : memref<16x512xf32, #tpu.memory_space<vmem>>[vector<16xi32>, vector<16xi32>], vector<16xf32>,
      %swap3A_208 = arith.index_cast %scan3A_129 : i32 to index
      %swap3A_209 = arith.constant 256 : index
      %swap3A_210 = tpu.vector_load %arg7[%swap3A_208, %swap3A_209] {strides = array<i32>} : memref<16x512xf32, #tpu.memory_space<vmem>>, vector<16xf32>,
      tpu.vector_store %arg7[%swap3A_208, %swap3A_209], %gather3A_192 {strides = array<i32>} : memref<16x512xf32, #tpu.memory_space<vmem>>, vector<16xf32>,
      %swap3A_211 = arith.index_cast %scan3A_129 : i32 to index
      %swap3A_212 = arith.constant 272 : index
      %swap3A_213 = tpu.vector_load %arg7[%swap3A_211, %swap3A_212] {strides = array<i32>} : memref<16x512xf32, #tpu.memory_space<vmem>>, vector<16xf32>,
      tpu.vector_store %arg7[%swap3A_211, %swap3A_212], %gather3A_193 {strides = array<i32>} : memref<16x512xf32, #tpu.memory_space<vmem>>, vector<16xf32>,
      %swap3A_214 = arith.index_cast %scan3A_129 : i32 to index
      %swap3A_215 = arith.constant 288 : index
      %swap3A_216 = tpu.vector_load %arg7[%swap3A_214, %swap3A_215] {strides = array<i32>} : memref<16x512xf32, #tpu.memory_space<vmem>>, vector<16xf32>,
      tpu.vector_store %arg7[%swap3A_214, %swap3A_215], %gather3A_194 {strides = array<i32>} : memref<16x512xf32, #tpu.memory_space<vmem>>, vector<16xf32>,
      %swap3A_217 = arith.index_cast %scan3A_129 : i32 to index
      %swap3A_218 = arith.constant 304 : index
      %swap3A_219 = tpu.vector_load %arg7[%swap3A_217, %swap3A_218] {strides = array<i32>} : memref<16x512xf32, #tpu.memory_space<vmem>>, vector<16xf32>,
      tpu.vector_store %arg7[%swap3A_217, %swap3A_218], %gather3A_195 {strides = array<i32>} : memref<16x512xf32, #tpu.memory_space<vmem>>, vector<16xf32>,
      %swap3A_220 = arith.index_cast %scan3A_129 : i32 to index
      %swap3A_221 = arith.constant 320 : index
      %swap3A_222 = tpu.vector_load %arg7[%swap3A_220, %swap3A_221] {strides = array<i32>} : memref<16x512xf32, #tpu.memory_space<vmem>>, vector<16xf32>,
      tpu.vector_store %arg7[%swap3A_220, %swap3A_221], %gather3A_196 {strides = array<i32>} : memref<16x512xf32, #tpu.memory_space<vmem>>, vector<16xf32>,
      %swap3A_223 = arith.index_cast %scan3A_129 : i32 to index
      %swap3A_224 = arith.constant 336 : index
      %swap3A_225 = tpu.vector_load %arg7[%swap3A_223, %swap3A_224] {strides = array<i32>} : memref<16x512xf32, #tpu.memory_space<vmem>>, vector<16xf32>,
      tpu.vector_store %arg7[%swap3A_223, %swap3A_224], %gather3A_197 {strides = array<i32>} : memref<16x512xf32, #tpu.memory_space<vmem>>, vector<16xf32>,
      %swap3A_226 = arith.index_cast %scan3A_129 : i32 to index
      %swap3A_227 = arith.constant 352 : index
      %swap3A_228 = tpu.vector_load %arg7[%swap3A_226, %swap3A_227] {strides = array<i32>} : memref<16x512xf32, #tpu.memory_space<vmem>>, vector<16xf32>,
      tpu.vector_store %arg7[%swap3A_226, %swap3A_227], %gather3A_198 {strides = array<i32>} : memref<16x512xf32, #tpu.memory_space<vmem>>, vector<16xf32>,
      %swap3A_229 = arith.index_cast %scan3A_129 : i32 to index
      %swap3A_230 = arith.constant 368 : index
      %swap3A_231 = tpu.vector_load %arg7[%swap3A_229, %swap3A_230] {strides = array<i32>} : memref<16x512xf32, #tpu.memory_space<vmem>>, vector<16xf32>,
      tpu.vector_store %arg7[%swap3A_229, %swap3A_230], %gather3A_199 {strides = array<i32>} : memref<16x512xf32, #tpu.memory_space<vmem>>, vector<16xf32>,
      %swap3A_232 = arith.index_cast %scan3A_129 : i32 to index
      %swap3A_233 = arith.constant 384 : index
      %swap3A_234 = tpu.vector_load %arg7[%swap3A_232, %swap3A_233] {strides = array<i32>} : memref<16x512xf32, #tpu.memory_space<vmem>>, vector<16xf32>,
      tpu.vector_store %arg7[%swap3A_232, %swap3A_233], %gather3A_200 {strides = array<i32>} : memref<16x512xf32, #tpu.memory_space<vmem>>, vector<16xf32>,
      %swap3A_235 = arith.index_cast %scan3A_129 : i32 to index
      %swap3A_236 = arith.constant 400 : index
      %swap3A_237 = tpu.vector_load %arg7[%swap3A_235, %swap3A_236] {strides = array<i32>} : memref<16x512xf32, #tpu.memory_space<vmem>>, vector<16xf32>,
      tpu.vector_store %arg7[%swap3A_235, %swap3A_236], %gather3A_201 {strides = array<i32>} : memref<16x512xf32, #tpu.memory_space<vmem>>, vector<16xf32>,
      %swap3A_238 = arith.index_cast %scan3A_129 : i32 to index
      %swap3A_239 = arith.constant 416 : index
      %swap3A_240 = tpu.vector_load %arg7[%swap3A_238, %swap3A_239] {strides = array<i32>} : memref<16x512xf32, #tpu.memory_space<vmem>>, vector<16xf32>,
      tpu.vector_store %arg7[%swap3A_238, %swap3A_239], %gather3A_202 {strides = array<i32>} : memref<16x512xf32, #tpu.memory_space<vmem>>, vector<16xf32>,
      %swap3A_241 = arith.index_cast %scan3A_129 : i32 to index
      %swap3A_242 = arith.constant 432 : index
      %swap3A_243 = tpu.vector_load %arg7[%swap3A_241, %swap3A_242] {strides = array<i32>} : memref<16x512xf32, #tpu.memory_space<vmem>>, vector<16xf32>,
      tpu.vector_store %arg7[%swap3A_241, %swap3A_242], %gather3A_203 {strides = array<i32>} : memref<16x512xf32, #tpu.memory_space<vmem>>, vector<16xf32>,
      %swap3A_244 = arith.index_cast %scan3A_129 : i32 to index
      %swap3A_245 = arith.constant 448 : index
      %swap3A_246 = tpu.vector_load %arg7[%swap3A_244, %swap3A_245] {strides = array<i32>} : memref<16x512xf32, #tpu.memory_space<vmem>>, vector<16xf32>,
      tpu.vector_store %arg7[%swap3A_244, %swap3A_245], %gather3A_204 {strides = array<i32>} : memref<16x512xf32, #tpu.memory_space<vmem>>, vector<16xf32>,
      %swap3A_247 = arith.index_cast %scan3A_129 : i32 to index
      %swap3A_248 = arith.constant 464 : index
      %swap3A_249 = tpu.vector_load %arg7[%swap3A_247, %swap3A_248] {strides = array<i32>} : memref<16x512xf32, #tpu.memory_space<vmem>>, vector<16xf32>,
      tpu.vector_store %arg7[%swap3A_247, %swap3A_248], %gather3A_205 {strides = array<i32>} : memref<16x512xf32, #tpu.memory_space<vmem>>, vector<16xf32>,
      %swap3A_250 = arith.index_cast %scan3A_129 : i32 to index
      %swap3A_251 = arith.constant 480 : index
      %swap3A_252 = tpu.vector_load %arg7[%swap3A_250, %swap3A_251] {strides = array<i32>} : memref<16x512xf32, #tpu.memory_space<vmem>>, vector<16xf32>,
      tpu.vector_store %arg7[%swap3A_250, %swap3A_251], %gather3A_206 {strides = array<i32>} : memref<16x512xf32, #tpu.memory_space<vmem>>, vector<16xf32>,
      %swap3A_253 = arith.index_cast %scan3A_129 : i32 to index
      %swap3A_254 = arith.constant 496 : index
      %swap3A_255 = tpu.vector_load %arg7[%swap3A_253, %swap3A_254] {strides = array<i32>} : memref<16x512xf32, #tpu.memory_space<vmem>>, vector<16xf32>,
      tpu.vector_store %arg7[%swap3A_253, %swap3A_254], %gather3A_207 {strides = array<i32>} : memref<16x512xf32, #tpu.memory_space<vmem>>, vector<16xf32>,
    }
    %scan3A_116 = arith.constant 8 : i32
    %add3A_117 = arith.constant 8 : i32
    %add3A_118 = arith.addi %mul3A_2, %add3A_117 : i32
    "tpu.region"() ({
      %run_scoped3A = tpu.sem_alloc : memref<!tpu.dma_semaphore, #tpu.memory_space<semaphore_mem>>
      %dma_start3A_129 = arith.constant 8 : i32
      %dma_start3A_130 = arith.constant 0 : i32
      %dma_start3A_131 = tpu.memref_slice %arg7[%dma_start3A_129, %dma_start3A_130] : memref<16x512xf32, #tpu.memory_space<vmem>> -> memref<8x512xf32, #tpu.memory_space<vmem>>
      %dma_start3A_132 = arith.constant 0 : i32
      %dma_start3A_133 = tpu.memref_slice %arg4[%add3A_118, %dma_start3A_132] : memref<512x512xf32, #tpu.memory_space<hbm>> -> memref<8x512xf32, #tpu.memory_space<hbm>>
      %dma_start3A_134 = arith.constant 0 : i32
      %dma_start3A_135 = tpu.memref_slice %arg4[%add3A_118, %dma_start3A_134] : memref<512x512xf32, #tpu.memory_space<hbm>> -> memref<8x512xf32, #tpu.memory_space<hbm>>
      %dma_start3A_136 = arith.constant 8 : i32
      %dma_start3A_137 = arith.constant 0 : i32
      %dma_start3A_138 = tpu.memref_slice %arg7[%dma_start3A_136, %dma_start3A_137] : memref<16x512xf32, #tpu.memory_space<vmem>> -> memref<8x512xf32, #tpu.memory_space<vmem>>
      tpu.enqueue_dma source(%dma_start3A_138 : memref<8x512xf32, #tpu.memory_space<vmem>>) target(%dma_start3A_135 : memref<8x512xf32, #tpu.memory_space<hbm>>) target_semaphore(%run_scoped3A : memref<!tpu.dma_semaphore, #tpu.memory_space<semaphore_mem>>)
      %dma_wait3A_139 = arith.constant 8 : i32
      %dma_wait3A_140 = arith.constant 0 : i32
      %dma_wait3A_141 = tpu.memref_slice %arg7[%dma_wait3A_139, %dma_wait3A_140] : memref<16x512xf32, #tpu.memory_space<vmem>> -> memref<8x512xf32, #tpu.memory_space<vmem>>
      %dma_wait3A_142 = arith.constant 0 : i32
      %dma_wait3A_143 = tpu.memref_slice %arg4[%add3A_118, %dma_wait3A_142] : memref<512x512xf32, #tpu.memory_space<hbm>> -> memref<8x512xf32, #tpu.memory_space<hbm>>
      %dma_wait3A_144 = arith.constant 0 : i32
      %dma_wait3A_145 = tpu.memref_slice %arg4[%add3A_118, %dma_wait3A_144] : memref<512x512xf32, #tpu.memory_space<hbm>> -> memref<8x512xf32, #tpu.memory_space<hbm>>
      %dma_wait3A_146 = arith.constant 8 : i32
      %dma_wait3A_147 = arith.constant 0 : i32
      %dma_wait3A_148 = tpu.memref_slice %arg7[%dma_wait3A_146, %dma_wait3A_147] : memref<16x512xf32, #tpu.memory_space<vmem>> -> memref<8x512xf32, #tpu.memory_space<vmem>>
      tpu.wait_dma2 semaphore(%run_scoped3A : memref<!tpu.dma_semaphore, #tpu.memory_space<semaphore_mem>>) src(%dma_wait3A_148 : memref<8x512xf32, #tpu.memory_space<vmem>>) dst(%dma_wait3A_145 : memref<8x512xf32, #tpu.memory_space<hbm>>)
      tpu.yield
    }) : () -> ()
    %dma_wait3A_119 = arith.constant 0 : i32
    %dma_wait3A_120 = arith.constant 0 : i32
    %dma_wait3A_121 = tpu.memref_slice %arg7[%dma_wait3A_119, %dma_wait3A_120] : memref<16x512xf32, #tpu.memory_space<vmem>> -> memref<8x512xf32, #tpu.memory_space<vmem>>
    %dma_wait3A_122 = arith.constant 0 : i32
    %dma_wait3A_123 = tpu.memref_slice %arg4[%add3A_94, %dma_wait3A_122] : memref<512x512xf32, #tpu.memory_space<hbm>> -> memref<8x512xf32, #tpu.memory_space<hbm>>
    %dma_wait3A_124 = arith.constant 0 : i32
    %dma_wait3A_125 = tpu.memref_slice %arg4[%add3A_94, %dma_wait3A_124] : memref<512x512xf32, #tpu.memory_space<hbm>> -> memref<8x512xf32, #tpu.memory_space<hbm>>
    %dma_wait3A_126 = arith.constant 0 : i32
    %dma_wait3A_127 = arith.constant 0 : i32
    %dma_wait3A_128 = tpu.memref_slice %arg7[%dma_wait3A_126, %dma_wait3A_127] : memref<16x512xf32, #tpu.memory_space<vmem>> -> memref<8x512xf32, #tpu.memory_space<vmem>>
    tpu.wait_dma2 semaphore(%arg10 : memref<!tpu.dma_semaphore, #tpu.memory_space<semaphore_mem>>) src(%dma_wait3A_128 : memref<8x512xf32, #tpu.memory_space<vmem>>) dst(%dma_wait3A_125 : memref<8x512xf32, #tpu.memory_space<hbm>>)
    return
  }
}

module attributes {stable_mosaic.version = 14 : i64} {
  func.func @_rank_reg_body(%arg0: memref<1x512xf32, #tpu.memory_space<vmem>>, %arg1: memref<1x512xi32, #tpu.memory_space<vmem>>, %arg2: memref<1x128xf32, #tpu.memory_space<vmem>>) attributes {dimension_semantics = [], scalar_prefetch = 0 : i64, scratch_operands = 0 : i64, tpu.core_type = #tpu.core_type<tc>} {
    %get3A = arith.constant 0 : index
    %get3A_0 = arith.constant 0 : index
    %get3A_1 = vector.load %arg0[%get3A, %get3A_0] : memref<1x512xf32, #tpu.memory_space<vmem>>, vector<1x512xf32>
    %broadcast_in_dim3A = vector.shape_cast %get3A_1 : vector<1x512xf32> to vector<1x512xf32>
    %broadcast_in_dim3A_2 = vector.broadcast %broadcast_in_dim3A : vector<1x512xf32> to vector<512x512xf32>
    %transpose3A = tpu.transpose %get3A_1, [1, 0] : vector<1x512xf32> -> vector<512x1xf32>
    %broadcast_in_dim3A_3 = vector.shape_cast %transpose3A : vector<512x1xf32> to vector<512x1xf32>
    %broadcast_in_dim3A_4 = vector.broadcast %broadcast_in_dim3A_3 : vector<512x1xf32> to vector<512x512xf32>
    %iota3A = tpu.iota {dimensions = array<i32: 1>} : vector<512x512xi32>
    %iota3A_5 = tpu.iota {dimensions = array<i32: 0>} : vector<512x512xi32>
    %lt3A = arith.cmpf olt, %broadcast_in_dim3A_4, %broadcast_in_dim3A_2 : vector<512x512xf32>
    %eq3A = arith.cmpf oeq, %broadcast_in_dim3A_4, %broadcast_in_dim3A_2 : vector<512x512xf32>
    %lt3A_6 = arith.cmpi slt, %iota3A_5, %iota3A : vector<512x512xi32>
    %and3A = arith.andi %eq3A, %lt3A_6 : vector<512x512xi1>
    %or3A = arith.ori %lt3A, %and3A : vector<512x512xi1>
    %convert_element_type3A = arith.extui %or3A : vector<512x512xi1> to vector<512x512xi32>
    %reduce_sum3A = arith.constant dense<0> : vector<512xi32>
    %reduce_sum3A_7 = vector.multi_reduction <add>, %convert_element_type3A, %reduce_sum3A [0] : vector<512x512xi32> to vector<512xi32>
    %broadcast_in_dim3A_8 = vector.shape_cast %reduce_sum3A_7 : vector<512xi32> to vector<1x512xi32>
    %swap3A = arith.constant 0 : index
    %swap3A_9 = arith.constant 0 : index
    %swap3A_10 = vector.load %arg1[%swap3A, %swap3A_9] : memref<1x512xi32, #tpu.memory_space<vmem>>, vector<1x512xi32>
    tpu.vector_store %arg1[%swap3A, %swap3A_9], %broadcast_in_dim3A_8 {strides = array<i32>} : memref<1x512xi32, #tpu.memory_space<vmem>>, vector<1x512xi32>,
    %mul3A = arith.mulf %get3A_1, %get3A_1 : vector<1x512xf32>
    %reduce_sum3A_11 = vector.shape_cast %mul3A : vector<1x512xf32> to vector<1x1x512xf32>
    %reduce_sum3A_12 = arith.constant dense<0.000000e+00> : vector<1xf32>
    %reduce_sum3A_13 = vector.multi_reduction <add>, %reduce_sum3A_11, %reduce_sum3A_12 [1, 2] : vector<1x1x512xf32> to vector<1xf32>
    %reduce_sum3A_14 = vector.shape_cast %reduce_sum3A_13 : vector<1xf32> to vector<1x1x1xf32>
    %reduce_sum3A_15 = vector.extract %reduce_sum3A_14[0, 0, 0] : f32 from vector<1x1x1xf32>
    %broadcast_in_dim3A_16 = vector.broadcast %reduce_sum3A_15 : f32 to vector<1x1xf32>
    %mul3A_17 = arith.constant 9.99999974E-5 : f32
    %mul3A_18 = vector.broadcast %mul3A_17 : f32 to vector<1x1xf32>
    %mul3A_19 = arith.mulf %mul3A_18, %broadcast_in_dim3A_16 : vector<1x1xf32>
    %broadcast_in_dim3A_20 = vector.shape_cast %mul3A_19 : vector<1x1xf32> to vector<1x1xf32>
    %broadcast_in_dim3A_21 = vector.broadcast %broadcast_in_dim3A_20 : vector<1x1xf32> to vector<1x128xf32>
    %swap3A_22 = arith.constant 0 : index
    %swap3A_23 = arith.constant 0 : index
    %swap3A_24 = vector.load %arg2[%swap3A_22, %swap3A_23] : memref<1x128xf32, #tpu.memory_space<vmem>>, vector<1x128xf32>
    tpu.vector_store %arg2[%swap3A_22, %swap3A_23], %broadcast_in_dim3A_21 {strides = array<i32>} : memref<1x128xf32, #tpu.memory_space<vmem>>, vector<1x128xf32>,
    return
  }
}

</mosaic_0001>

<sc_bundles>
// kernel: kernel.4.cloned.1.call-start
scs
__scs_entry_jumppad:
0x0: {  	(pc) =	sbr.rel $0x88, $3  }
0x1: {  	(tag) =	ssettag $0x0;
	lr =	simm.s32 $0x1  }
0x2: {  	[smem:$0x3F9F] =	sst lr;
	_ =	strace $0xD0000000  }
0x3: {  	_ = 	snop  }
0x4: {  	_ = 	snop  }
0x5: {  	_ = 	snop  }
0x6: {  	_ = 	snop  }
0x7: {  	_ = 	snop  }
__scs_overlays_trampoline_lowered:
0x8: {  	[smem:$0x3FAE] =	sst s0  }
0x9: {  	[smem:$0x3FAF] =	sst s1  }
0xa: {  	[smem:$0x3FB0] =	sst s2  }
0xb: {  	[smem:$0x3FB1] =	sst s3  }
0xc: {  	[smem:$0x3FB2] =	sst s4  }
0xd: {  	[smem:$0x3FB3] =	sst s5  }
0xe: {  	[smem:$0x3FB4] =	sst s6  }
0xf: {  	[smem:$0x3FB5] =	sst s7  }
0x10: {  	[smem:$0x3FB6] =	sst s8  }
0x11: {  	[smem:$0x3FB7] =	sst s9;
	s0 =	simm.s32 @!p0 $0x0  }
0x12: {  	s1 =	sld [smem:$0x3F9D];
	s0 =	simm.s32 @p0 $0x1  }
0x13: {  	[smem:$0x3FB8] =	sst s0;
	s0 =	simm.s32 @!p1 $0x0  }
0x14: {  	s2 =	sld [smem:$0x3F9C];
	s0 =	simm.s32 @p1 $0x1  }
0x15: {  	[smem:$0x3FB9] =	sst s0;
	s0 =	simm.s32 @!p2 $0x0  }
0x16: {  	s3 =	sld [smem:$0x3FDB];
	s0 =	simm.s32 @p2 $0x1  }
0x17: {  	s4 =	simm.s32 $0x1BF5;
	[smem:$0x3FBB] =	sst s0  }
0x18: {  	s0 =	sld [smem:$0x3F9E];
	_ =	swait.ge [sflag:s4], $0x0  }
0x19: {  	s7 =	sld [smem:$0x3F9F]  }
0x1a: {  	s8 =	sadd.s32 $0xFFFFE003, lr  }
0x1b: {  	s9 =	sadd.s32 $0xFFFFFEF7, lr;
	s5 =	simm.s32 $0xFFFFFFFF;
	p2 =	slt.u32 s8, $0xFFFFF086  }
0x1c: {  	p1 =	slt.u32 s9, $0xF7A;
	s5 =	simm.s32 @!p2 $0x0  }
0x1d: {  	s5 =	simm.s32 @p1 $0x1;
	p0 =	seq.s32 s7, s2  }
0x1e: {  	s7 =	smul.u32 @!p0 $0xF7A, s2;
	p2 =	seq.s32 @!p0 s5, $0x0  }
0x1f: {  	s9 =	smul.u32 $0xF7A, s1;
	s8 =	simm.s32 @!p0 $0x1BF5;
	p2 =	por !p2, p0  }
0x20: {  	[sflag:s8] =	ssyncset.s32 @!p0 $0xFFFFF086;
	s6 =	sadd.s32 @!p0 s3, s7;
	s7 =	simm.s32 @!p0 $0x108  }
0x21: {  	s3 =	sadd.s32 s3, s9;
	s6 =	sadd.s32 @!p0 $0x88, s6;
	s7 =	simm.s32 @p2 $0x1082  }
0x22: {  	[simem:s7], [sflag:s8] =	dma.local @!p0 [hbm:s6], $0xF7A  }
0x23: {  	s9 =	sor.u32 $0xD0000000, s2;
	s6 =	simm.s32 $0x108;
	_ =	swait.ge @!p0 [sflag:s8], $0x0  }
0x24: {  	s3 =	sadd.s32 $0x88, s3;
	s6 =	simm.s32 @!p1 $0x1082;
	[sflag:s4] =	ssyncset.s32 $0xFFFFF086  }
0x25: {  	[simem:s6], [sflag:s4] =	dma.local [hbm:s3], $0xF7A  }
0x26: {  	[smem:$0x3F9F] =	sst s1;
	(tag) =	ssettag s2;
	_ =	strace s9  }
0x27: {  	s1 =	sld [smem:$0x3FAF]  }
0x28: {  	s2 =	sld [smem:$0x3FB0]  }
0x29: {  	s4 =	sld [smem:$0x3FB2]  }
0x2a: {  	p0 =	seq.s32 s5, $0x0;
	s5 =	sld [smem:$0x3FB3]  }
0x2b: {  	s6 =	sld [smem:$0x3FB4]  }
0x2c: {  	s7 =	sld [smem:$0x3FB5]  }
0x2d: {  	s3 =	simm.s32 $0x108;
	s8 =	sld [smem:$0x3FB6]  }
0x2e: {  	s3 =	simm.s32 @!p0 $0x1082;
	s9 =	sld [smem:$0x3FB7]  }
0x2f: {  	lr =	sadd.s32 s0, s3;
	s0 =	sld [smem:$0x3FAE]  }
0x30: {  	s3 =	sld [smem:$0x3FB1]  }
0x31: {  	[smem:$0x3FBA] =	sst s10  }
0x32: {  	s10 =	sld [smem:$0x3FB8];
	_ =	sdelay $0x3  }
0x33: {  	p0 =	seq.s32 s10, $0x1;
	s10 =	sld [smem:$0x3FBA];
	_ =	sdelay $0x3  }
0x34: {  	[smem:$0x3FBA] =	sst s10  }
0x35: {  	s10 =	sld [smem:$0x3FB9];
	_ =	sdelay $0x3  }
0x36: {  	p1 =	seq.s32 s10, $0x1;
	s10 =	sld [smem:$0x3FBA];
	_ =	sdelay $0x3  }
0x37: {  	[smem:$0x3FBA] =	sst s10  }
0x38: {  	s10 =	sld [smem:$0x3FBB]  }
0x39: {  	_ = 	snop;
	(pc) =	sbr.ind lr, $3  }
0x3a: {  	_ = 	snop  }
0x3b: {  	_ = 	snop  }
0x3c: {  	p2 =	seq.s32 s10, $0x1;
	s10 =	sld [smem:$0x3FBA]  }
0x3d: {  	_ =	shalt  }
0x3e: {  	_ =	shalt  }
0x3f: {  	_ =	shalt  }
0x40: {  	_ =	shalt  }
0x41: {  	_ =	shalt  }
0x42: {  	_ =	shalt  }
0x43: {  	_ =	shalt  }
0x44: {  	_ =	shalt  }
0x45: {  	_ =	shalt  }
0x46: {  	_ =	shalt  }
0x47: {  	_ =	shalt  }
0x48: {  	_ =	shalt  }
0x49: {  	_ =	shalt  }
0x4a: {  	_ =	shalt  }
0x4b: {  	_ =	shalt  }
0x4c: {  	_ =	shalt  }
0x4d: {  	_ =	shalt  }
0x4e: {  	_ =	shalt  }
0x4f: {  	_ =	shalt  }
0x50: {  	_ =	shalt  }
0x51: {  	_ =	shalt  }
0x52: {  	_ =	shalt  }
0x53: {  	_ =	shalt  }
0x54: {  	_ =	shalt  }
0x55: {  	_ =	shalt  }
0x56: {  	_ =	shalt  }
0x57: {  	_ =	shalt  }
0x58: {  	_ =	shalt  }
0x59: {  	_ =	shalt  }
0x5a: {  	_ =	shalt  }
0x5b: {  	_ =	shalt  }
0x5c: {  	_ =	shalt  }
0x5d: {  	_ =	shalt  }
0x5e: {  	_ =	shalt  }
0x5f: {  	_ =	shalt  }
0x60: {  	_ =	shalt  }
0x61: {  	_ =	shalt  }
0x62: {  	_ =	shalt  }
0x63: {  	_ =	shalt  }
0x64: {  	_ =	shalt  }
0x65: {  	_ =	shalt  }
0x66: {  	_ =	shalt  }
0x67: {  	_ =	shalt  }
0x68: {  	_ =	shalt  }
0x69: {  	_ =	shalt  }
0x6a: {  	_ =	shalt  }
0x6b: {  	_ =	shalt  }
0x6c: {  	_ =	shalt  }
0x6d: {  	_ =	shalt  }
0x6e: {  	_ =	shalt  }
0x6f: {  	_ =	shalt  }
0x70: {  	_ =	shalt  }
0x71: {  	_ =	shalt  }
0x72: {  	_ =	shalt  }
0x73: {  	_ =	shalt  }
0x74: {  	_ =	shalt  }
0x75: {  	_ =	shalt  }
0x76: {  	_ =	shalt  }
0x77: {  	_ =	shalt  }
0x78: {  	_ =	shalt  }
0x79: {  	_ =	shalt  }
0x7a: {  	_ =	shalt  }
0x7b: {  	_ =	shalt  }
0x7c: {  	_ =	shalt  }
0x7d: {  	_ =	shalt  }
0x7e: {  	_ =	shalt  }
0x7f: {  	_ =	shalt  }
0x80: {  	_ =	shalt  }
0x81: {  	_ =	shalt  }
0x82: {  	_ =	shalt  }
0x83: {  	_ =	shalt  }
0x84: {  	_ =	shalt  }
0x85: {  	_ =	shalt  }
0x86: {  	_ =	shalt  }
0x87: {  	_ =	shalt  }
.Lfunc_end0:
.L_simem_size_0:
called_computation_lowered:
.L_overlay_start_0:
0x88: {  	s2 =	sld [smem:$0x3FD9]  }
0x89: {  	s3 =	sld [smem:$0x3FFE];
	_ =	sdelay $0x1  }
0x8a: {  	s1 =	srdreg.scid  }
0x8b: {  	s0 =	sand.u32 $0x1, s1  }
0x8c: {  	s14 =	sshll.u32 s0, $0xA;
	s2 =	sadd.s32 s3, s2  }
0x8d: {  	s2 =	sadd.s32 s2, s14  }
0x8e: {  	[smem:$0x3FC6] =	sst s2  }
0x8f: {  	_ = 	snop  }
0x90: {  	s2 =	sld [smem:$0x3FD0];
	_ =	sdelay $0x2  }
0x91: {  	s4 =	simm.s32 $0xA;
	s5 =	simm.s32 $0x10;
	s15 =	sld [smem:$0x3FC8]  }
0x92: {  	[smem:s5], [sflag:s4] =	dma.local [hbm:s2], $0x1  }
0x93: {  	_ =	swait.eq [sflag:s4], $0x1  }
0x94: {  	[sflag:s4] =	ssyncset.done $0x0  }
0x95: {  	[sflag:s4] =	ssyncadd.s32 $0xFFFFFFFF  }
0x96: {  	s16 =	sld [smem:$0x11];
	(tm) =	ssettm $0x1  }
0x97: {  	s17 =	sld [smem:$0x3FFB];
	_ =	sdelay $0x3  }
0x98: {  	_ =	strace s17  }
0x99: {  	s4 =	sld [smem:$0x3FFC];
	_ =	sdelay $0x3  }
0x9a: {  	_ =	strace s4  }
0x9b: {  	s4 =	sld [smem:$0x3FFD];
	_ =	sdelay $0x3  }
0x9c: {  	_ =	strace s4  }
0x9d: {  	_ =	strace $0x8FFFFFFF  }
0x9e: {  	s18 =	sld [smem:$0x3FDB];
	_ =	sdelay $0x1  }
0x9f: {  	s19 =	simm.s32 $_scs_section_size  }
0xa0: {  	s6 =	simm.s32 $_size__tile_overlayer_lowered;
	s7 =	simm.s32 $_tile_overlayer_lowered  }
0xa1: {  	s22 =	simm.s32 $0x1BFF;
	s21 =	sshll.u32 s7, $0x1;
	s4 =	sadd.s32 s19, s18  }
0xa2: {  	s8 =	simm.s32 $0x0;
	s20 =	sshll.u32 s6, $0x1;
	s6 =	sadd.s32 s21, s4  }
0xa3: {  	[timem:s8], [sflag:s22] =	dma.local [hbm:s6], s20  }
0xa4: {  	_ =	swait.ge [sflag:s22], s20  }
0xa5: {  	s5 =	ssub.s32 $0x0, s20;
	[sflag:s22] =	ssyncset.done $0x0  }
0xa6: {  	[sflag:s22] =	ssyncadd.s32 s5;
	_ =	sdelay $0x1  }
0xa7: {  	s23 =	simm.s32 $0x1B8B  }
0xa8: {  	_ =	swait.ge [sflag:s23], $0x1  }
0xa9: {  	[sflag:s23] =	ssyncset.done $0x0  }
0xaa: {  	s25 =	simm.s32 $0x1B8E;
	s24 =	sld [smem:$0x3FFE];
	[sflag:s23] =	ssyncadd.s32 $0xFFFFFFFF  }
0xab: {  	s26 =	simm.s32 $execute0_lowered;
	[smem:$0x3FD2] =	sst s25  }
0xac: {  	s6 =	sshll.u32 s26, $0x1;
	_ =	strace $0x80000046;
	[dreg:$0x1] =	wrdreg $0xFFFFFFFF  }
0xad: {  	s28 =	simm.s32 $_size_execute0_lowered;
	s4 =	sadd.s32 s4, s6;
	[dreg:$0x0] =	wrdreg $0x0  }
0xae: {  	s6 =	sshll.u32 s28, $0x1;
	[dreg:$0x2] =	wrdreg s4  }
0xaf: {  	[dreg:$0x3] =	wrdreg s6  }
0xb0: {  	[dreg:$0x4] =	wrdreg $0xC0  }
0xb1: {  	_ =	task [dreg:s8], $0x5FFFF  }
0xb2: {  	[dreg:$0x1] =	wrdreg $0xFFFFFFFF  }
0xb3: {  	[dreg:$0x0] =	wrdreg $0x60  }
0xb4: {  	[dreg:$0x2] =	wrdreg s24  }
0xb5: {  	[dreg:$0x3] =	wrdreg s15  }
0xb6: {  	[dreg:$0x4] =	wrdreg s16  }
0xb7: {  	[dreg:$0x5] =	wrdreg $0x9  }
0xb8: {  	_ =	task.clear_ibuf [dreg:s8], $0x6FFFF;
	_ =	strace $0x90000046  }
0xb9: {  	s29 =	simm.s32 $0x9;
	_ =	strace $0x80000048  }
0xba: {  	_ =	swait.ge [sflag:s29], $0x1  }
0xbb: {  	[sflag:s29] =	ssyncadd.s32 $0xFFFFFFFF  }
0xbc: {  	_ =	strace $0x90000048  }
0xbd: {  	_ =	sfence  }
0xbe: {  	s30 =	sld [smem:$0x0];
	_ =	sdelay $0x2  }
0xbf: {  	s31 =	sshll.u32 s1, $0xD;
	s1 =	sshrl.u32 s1, $0x2  }
0xc0: {  	s3 =	sand.u32 $0x4000, s31;
	s1 =	sadd.s32 s1, s30  }
0xc1: {  	s0 =	sor.u32 s3, s0;
	s1 =	sshll.u32 s1, $0x11  }
0xc2: {  	s0 =	sor.u32 s1, s0  }
0xc3: {  	s0 =	sadd.s32 $0x8F2B, s0  }
0xc4: {  	[sflag:s0] =	ssyncadd.remote.s32 $0x1  }
0xc5: {  	_ =	sfence.sel $0xFFFF  }
0xc6: {  	[dreg:$0x0] =	wrdreg $0xFFFFFFFF;
	(pc) =	sbr.abs _section_cstart, $3  }
0xc7: {  	[dreg:$0x1] =	wrdreg $0xFFFFFFFF  }
0xc8: {  	_ =	task.clear_ibuf [dreg:s8], $0x2FFFF;
	_ =	strace $0x9FFFFFFF  }
0xc9: {  	(tm) =	ssettm $0x7FFFFFFF  }
tec
execute0_lowered:
.L_overlay_start_1:
0x0: {  	(tag) =	ssettag $0x1  }
0x1: {  	s5 =	rddreg [dreg:$0x0]  }
0x2: {  	s1 =	rddreg [dreg:$0x1]  }
0x3: {  	s9 =	rddreg [dreg:$0x2]  }
0x4: {  	s0 =	rddreg [dreg:$0x3];
	s4 =	srdreg.scid  }
0x5: {  	s3 =	simm.s32 $0x0;
	s2 =	stileid.u32;
	s12 =	simm.s32 $0x200  }
0x6: {  	s13 =	simm.s32 $0xA00;
	s14 =	simm.s32 $0x1200;
	s15 =	simm.s32 $0x1A00  }
0x7: {  	s16 =	simm.s32 $0x1;
	s17 =	simm.s32 $0x2200;
	s18 =	simm.s32 $0x2  }
0x8: {  	s19 =	simm.s32 $0x3200;
	s20 =	simm.s32 $0x3;
	s21 =	simm.s32 $0x0  }
0x9: {  	s4 =	sand.u32 $0x1, s4;
	[smem:$0x7FF] =	sst s3;
	s6 =	sshll.u32 s2, $0x5  }
0xa: {  	s5 =	sadd.s32 $0xA00, s5;
	s7 =	sshll.u32 s4, $0x4;
	s8 =	ssub.s32 $0x2, s4  }
0xb: {  	_ =	strace $0x80000047;
	s4 =	sor.u32 s7, s6;
	s30 =	sshrl.u32 s8, $0x1  }
0xc: {  	v0 =	vlaneseq.u32;
	s7 =	sadd.s32 $0x100, s1;
	s6 =	sor.u32 $0x8, s4;
	s31 =	sshll.u32 s4, $0x6  }
0xd: {  	v1 =	vshrl.u32 v0, $0x3;
	s10 =	ssub.s32 s8, s30;
	s11 =	sshll.u32 s6, $0x6;
	s8 =	sadd.s32 s9, s31  }
0xe: {  	vm0 =	vmmov $0xffff;
	v0 =	vand.u32 $0x7, v0;
	v1 =	vmul.u32 $0x8, v1;
	s10 =	smax.u32 s10, $0x1;
	s9 =	sadd.s32 s9, s11;
	s11 =	simm.s32 $0x4  }
.LBB2_1:
0xf: {  	[tilespmem:s3], [sflag:$0x4] =	stream.linear.gather [hbm4b:s5+s3], $0x200, $0x38;
	[tilespmem:$0x4200] =	vst v63  }
0x10: {  	_ =	swait.ge [sflag:s11], $0x200  }
0x11: {  	[sflag:s11] =	ssyncset.done $0x0  }
0x12: {  	[sflag:s11] =	ssyncadd.s32 $0xFFFFFE00  }
0x13: {  	v2 =	vld.msk [tilespmem:s4+$0x0], $0xff;
	_ =	sdelay $0x4  }
0x14: {  	v3 =	vshll.u32 v2, $0x2  }
0x15: {  	v2 =	vand.u32 $0x7, v2;
	v3 =	vand.u32 $0xFFFFFFE0, v3  }
0x16: {  	v2 =	vor.u32 v2, v3  }
0x17: {  	v2 =	vperm.xlane v2, v0;
	_ =	sdelay $0x1  }
0x18: {  	v2 =	vadd.s32 v1, v2;
	_ =	sdelay $0x4  }
0x19: {  	[tilespmem:s12], [sflag:$0x1] =	stream.indirect_vreg.gather [hbm4b:s1+s3], $0x80, v2, vm0, $0xb8;
	[tilespmem:$0x4200] =	vst v63  }
0x1a: {  	_ = 	snop  }
0x1b: {  	[tilespmem:s13], [sflag:$0x1] =	stream.indirect_vreg.gather [hbm4b:s7+s3], $0x80, v2, vm0, $0xb8;
	[tilespmem:$0x4200] =	vst v63  }
0x1c: {  	v2 =	vld.msk [tilespmem:s6+$0x0], $0xff;
	_ =	sdelay $0x4  }
0x1d: {  	v3 =	vshll.u32 v2, $0x2  }
0x1e: {  	v2 =	vand.u32 $0x7, v2;
	v3 =	vand.u32 $0xFFFFFFE0, v3  }
0x1f: {  	v2 =	vor.u32 v2, v3  }
0x20: {  	v2 =	vperm.xlane v2, v0;
	_ =	sdelay $0x1  }
0x21: {  	v2 =	vadd.s32 v1, v2;
	_ =	sdelay $0x4  }
0x22: {  	[tilespmem:s14], [sflag:$0x2] =	stream.indirect_vreg.gather [hbm4b:s1+s3], $0x80, v2, vm0, $0xb8;
	[tilespmem:$0x4200] =	vst v63  }
0x23: {  	_ = 	snop  }
0x24: {  	[tilespmem:s15], [sflag:$0x2] =	stream.indirect_vreg.gather [hbm4b:s7+s3], $0x80, v2, vm0, $0xb8;
	[tilespmem:$0x4200] =	vst v63  }
0x25: {  	v2 =	vld [tilespmem:$0x0]  }
0x26: {  	v3 =	vld [tilespmem:$0x10]  }
0x27: {  	v5 =	vld [tilespmem:$0x30]  }
0x28: {  	v9 =	vld [tilespmem:$0x50]  }
0x29: {  	v10 =	vld [tilespmem:$0x60]  }
0x2a: {  	v34 =	vld [tilespmem:$0x1D0]  }
0x2b: {  	v35 =	vld [tilespmem:$0x1E0]  }
0x2c: {  	v61 =	vld [tilespmem:$0x1F0]  }
0x2d: {  	v7 =	vand.u32 $0x7F, v2;
	v2 =	vshll.u32 v2, $0x3  }
0x2e: {  	v4 =	vld [tilespmem:$0x20];
	v8 =	vshll.u32 v3, $0x3;
	v3 =	vand.u32 $0x7F, v3;
	v11 =	vshll.u32 v5, $0x3  }
0x2f: {  	v5 =	vand.u32 $0x7F, v5;
	v13 =	vshll.u32 v9, $0x3;
	v14 =	vand.u32 $0x7F, v10  }
0x30: {  	v6 =	vld [tilespmem:$0x40];
	v10 =	vshll.u32 v10, $0x3;
	v62 =	vshll.u32 v34, $0x3;
	v63 =	vand.u32 $0x7F, v35  }
0x31: {  	v35 =	vshll.u32 v35, $0x3;
	v36 =	vshll.u32 v61, $0x3;
	v2 =	vand.u32 $0xFFFFFC00, v2  }
0x32: {  	v8 =	vand.u32 $0xFFFFFC00, v8;
	v11 =	vand.u32 $0xFFFFFC00, v11;
	v2 =	vor.u32 v7, v2  }
0x33: {  	v3 =	vor.u32 v3, v8;
	v7 =	vld [tilespmem:$0x70];
	v8 =	vand.u32 $0x7F, v4;
	v4 =	vshll.u32 v4, $0x3  }
0x34: {  	v12 =	vld [tilespmem:$0x80];
	v10 =	vand.u32 $0xFFFFFC00, v10;
	v35 =	vand.u32 $0xFFFFFC00, v35;
	v4 =	vand.u32 $0xFFFFFC00, v4  }
0x35: {  	v5 =	vor.u32 v5, v11;
	v11 =	vld [tilespmem:$0x90];
	v4 =	vor.u32 v8, v4;
	v8 =	vshll.u32 v6, $0x3  }
0x36: {  	v36 =	vand.u32 $0xFFFFFC00, v36;
	v6 =	vand.u32 $0x7F, v6;
	v8 =	vand.u32 $0xFFFFFC00, v8  }
0x37: {  	v6 =	vor.u32 v6, v8;
	v8 =	vand.u32 $0x7F, v9;
	v9 =	vand.u32 $0xFFFFFC00, v13;
	v13 =	vld [tilespmem:$0xA0]  }
0x38: {  	v16 =	vld [tilespmem:$0xB0];
	v15 =	vshll.u32 v7, $0x3;
	v17 =	vand.u32 $0x7F, v7;
	v7 =	vor.u32 v8, v9  }
0x39: {  	v8 =	vor.u32 v14, v10;
	v14 =	vld [tilespmem:$0xD0];
	v10 =	vand.u32 $0x7F, v12;
	v15 =	vand.u32 $0xFFFFFC00, v15  }
0x3a: {  	v18 =	vld [tilespmem:$0xC0];
	v12 =	vshll.u32 v12, $0x3;
	v9 =	vor.u32 v17, v15;
	v15 =	vshll.u32 v11, $0x3  }
0x3b: {  	v12 =	vand.u32 $0xFFFFFC00, v12;
	v11 =	vand.u32 $0x7F, v11;
	v15 =	vand.u32 $0xFFFFFC00, v15  }
0x3c: {  	v19 =	vld [tilespmem:$0xF0];
	v10 =	vor.u32 v10, v12;
	v11 =	vor.u32 v11, v15;
	v12 =	vshll.u32 v13, $0x3  }
0x3d: {  	v17 =	vld [tilespmem:$0xE0];
	v13 =	vand.u32 $0x7F, v13;
	v15 =	vshll.u32 v16, $0x3;
	v12 =	vand.u32 $0xFFFFFC00, v12  }
0x3e: {  	v15 =	vand.u32 $0xFFFFFC00, v15;
	v21 =	vshll.u32 v14, $0x3;
	v12 =	vor.u32 v13, v12  }
0x3f: {  	v20 =	vld [tilespmem:$0x100];
	v13 =	vand.u32 $0x7F, v16;
	v16 =	vand.u32 $0x7F, v18;
	v18 =	vshll.u32 v18, $0x3  }
0x40: {  	v22 =	vld [tilespmem:$0x110];
	v23 =	vand.u32 $0x7F, v14;
	v21 =	vand.u32 $0xFFFFFC00, v21;
	v18 =	vand.u32 $0xFFFFFC00, v18  }
0x41: {  	v24 =	vld [tilespmem:$0x120];
	v13 =	vor.u32 v13, v15;
	v15 =	vor.u32 v23, v21;
	v14 =	vor.u32 v16, v18  }
0x42: {  	v21 =	vld [tilespmem:$0x130];
	v16 =	vand.u32 $0x7F, v17;
	v17 =	vshll.u32 v17, $0x3;
	v18 =	vshll.u32 v19, $0x3  }
0x43: {  	v19 =	vand.u32 $0x7F, v19;
	v17 =	vand.u32 $0xFFFFFC00, v17;
	v18 =	vand.u32 $0xFFFFFC00, v18  }
0x44: {  	v25 =	vld [tilespmem:$0x150];
	v16 =	vor.u32 v16, v17;
	v17 =	vor.u32 v19, v18;
	v18 =	vshll.u32 v20, $0x3  }
0x45: {  	v23 =	vld [tilespmem:$0x140];
	v19 =	vand.u32 $0x7F, v20;
	v20 =	vshll.u32 v22, $0x3;
	v18 =	vand.u32 $0xFFFFFC00, v18  }
0x46: {  	v20 =	vand.u32 $0xFFFFFC00, v20;
	v18 =	vor.u32 v19, v18;
	v19 =	vand.u32 $0x7F, v22  }
0x47: {  	v26 =	vld [tilespmem:$0x160];
	v22 =	vand.u32 $0x7F, v24;
	v24 =	vshll.u32 v24, $0x3;
	v27 =	vshll.u32 v21, $0x3  }
0x48: {  	v28 =	vld [tilespmem:$0x170];
	v21 =	vand.u32 $0x7F, v21;
	v24 =	vand.u32 $0xFFFFFC00, v24;
	v27 =	vand.u32 $0xFFFFFC00, v27  }
0x49: {  	v29 =	vld [tilespmem:$0x180];
	v19 =	vor.u32 v19, v20;
	v20 =	vor.u32 v22, v24;
	v21 =	vor.u32 v21, v27  }
0x4a: {  	v27 =	vld [tilespmem:$0x190];
	v22 =	vand.u32 $0x7F, v23;
	v23 =	vshll.u32 v23, $0x3;
	v24 =	vshll.u32 v25, $0x3  }
0x4b: {  	v25 =	vand.u32 $0x7F, v25;
	v23 =	vand.u32 $0xFFFFFC00, v23;
	v24 =	vand.u32 $0xFFFFFC00, v24  }
0x4c: {  	v30 =	vld [tilespmem:$0x1A0];
	v22 =	vor.u32 v22, v23;
	v23 =	vor.u32 v25, v24;
	v24 =	vshll.u32 v26, $0x3  }
0x4d: {  	v31 =	vld [tilespmem:$0x1B0];
	v25 =	vand.u32 $0x7F, v26;
	v26 =	vshll.u32 v28, $0x3;
	v24 =	vand.u32 $0xFFFFFC00, v24  }
0x4e: {  	v26 =	vand.u32 $0xFFFFFC00, v26;
	v24 =	vor.u32 v25, v24;
	v25 =	vand.u32 $0x7F, v28  }
0x4f: {  	v32 =	vld [tilespmem:$0x1C0];
	v28 =	vand.u32 $0x7F, v29;
	v29 =	vshll.u32 v29, $0x3;
	v33 =	vshll.u32 v27, $0x3  }
0x50: {  	v29 =	vand.u32 $0xFFFFFC00, v29;
	v27 =	vand.u32 $0x7F, v27;
	v25 =	vor.u32 v25, v26  }
0x51: {  	v33 =	vand.u32 $0xFFFFFC00, v33;
	v26 =	vor.u32 v28, v29;
	v28 =	vand.u32 $0x7F, v30  }
0x52: {  	v29 =	vshll.u32 v30, $0x3;
	v30 =	vshll.u32 v31, $0x3;
	v31 =	vand.u32 $0x7F, v31  }
0x53: {  	v27 =	vor.u32 v27, v33;
	v29 =	vand.u32 $0xFFFFFC00, v29;
	v30 =	vand.u32 $0xFFFFFC00, v30  }
0x54: {  	v28 =	vor.u32 v28, v29;
	v29 =	vor.u32 v31, v30;
	v30 =	vshll.u32 v32, $0x3  }
0x55: {  	_ =	swait.ge [sflag:s16], $0x1000;
	v33 =	vand.u32 $0x7F, v61;
	v31 =	vand.u32 $0x7F, v32;
	v30 =	vand.u32 $0xFFFFFC00, v30  }
0x56: {  	[sflag:s16] =	ssyncset.done $0x0;
	v32 =	vand.u32 $0xFFFFFC00, v62;
	v30 =	vor.u32 v31, v30;
	v31 =	vand.u32 $0x7F, v34  }
0x57: {  	s22 =	simm.s32 $0x2A00;
	s23 =	simm.s32 $0x0;
	[sflag:s16] =	ssyncadd.s32 $0xFFFFF000;
	v33 =	vor.u32 v33, v36;
	v31 =	vor.u32 v31, v32;
	v32 =	vor.u32 v63, v35  }
.LBB2_2:
0x58: {  	v34 =	vmov s23  }
0x59: {  	v34 =	vshll.u32 v34, $0x7  }
0x5a: {  	v34 =	vand.u32 $0x380, v34  }
0x5b: {  	v34 =	vbroadcast v34, $0x0;
	_ =	sdelay $0x1  }
0x5c: {  	v35 =	vor.u32 v34, v2  }
0x5d: {  	v36 =	vor.u32 v34, v3  }
0x5e: {  	v37 =	vor.u32 v34, v4  }
0x5f: {  	v38 =	vor.u32 v34, v5  }
0x60: {  	v39 =	vor.u32 v34, v6  }
0x61: {  	v40 =	vor.u32 v34, v7;
	v35 =	vld.idx.msk [tilespmem:v35+s12+$0x0], $0xffff  }
0x62: {  	v41 =	vor.u32 v34, v8;
	v36 =	vld.idx.msk [tilespmem:v36+s12+$0x0], $0xffff  }
0x63: {  	v42 =	vor.u32 v34, v9;
	v37 =	vld.idx.msk [tilespmem:v37+s12+$0x0], $0xffff  }
0x64: {  	v43 =	vor.u32 v34, v10;
	v38 =	vld.idx.msk [tilespmem:v38+s12+$0x0], $0xffff  }
0x65: {  	v44 =	vor.u32 v34, v11;
	v39 =	vld.idx.msk [tilespmem:v39+s12+$0x0], $0xffff  }
0x66: {  	v45 =	vor.u32 v34, v12;
	v40 =	vld.idx.msk [tilespmem:v40+s12+$0x0], $0xffff  }
0x67: {  	v46 =	vor.u32 v34, v13;
	v41 =	vld.idx.msk [tilespmem:v41+s12+$0x0], $0xffff  }
0x68: {  	v47 =	vor.u32 v34, v14;
	v42 =	vld.idx.msk [tilespmem:v42+s12+$0x0], $0xffff  }
0x69: {  	v48 =	vor.u32 v34, v15;
	v43 =	vld.idx.msk [tilespmem:v43+s12+$0x0], $0xffff  }
0x6a: {  	v49 =	vor.u32 v34, v16;
	v44 =	vld.idx.msk [tilespmem:v44+s12+$0x0], $0xffff  }
0x6b: {  	v50 =	vor.u32 v34, v17;
	v45 =	vld.idx.msk [tilespmem:v45+s12+$0x0], $0xffff  }
0x6c: {  	v46 =	vld.idx.msk [tilespmem:v46+s12+$0x0], $0xffff  }
0x6d: {  	v47 =	vld.idx.msk [tilespmem:v47+s12+$0x0], $0xffff  }
0x6e: {  	v48 =	vld.idx.msk [tilespmem:v48+s12+$0x0], $0xffff  }
0x6f: {  	v49 =	vld.idx.msk [tilespmem:v49+s12+$0x0], $0xffff  }
0x70: {  	v50 =	vld.idx.msk [tilespmem:v50+s12+$0x0], $0xffff;
	[tilespmem:s22+$0xFFFFF800] =	vst v35  }
0x71: {  	[tilespmem:s22+$0xFFFFF810] =	vst v36  }
0x72: {  	[tilespmem:s22+$0xFFFFF820] =	vst v37  }
0x73: {  	[tilespmem:s22+$0xFFFFF830] =	vst v38  }
0x74: {  	[tilespmem:s22+$0xFFFFF840] =	vst v39  }
0x75: {  	[tilespmem:s22+$0xFFFFF850] =	vst v40  }
0x76: {  	[tilespmem:s22+$0xFFFFF860] =	vst v41  }
0x77: {  	[tilespmem:s22+$0xFFFFF870] =	vst v42  }
0x78: {  	[tilespmem:s22+$0xFFFFFC00] =	vst v43  }
0x79: {  	[tilespmem:s22+$0xFFFFFC10] =	vst v44  }
0x7a: {  	[tilespmem:s22+$0xFFFFFC20] =	vst v45  }
0x7b: {  	v51 =	vor.u32 v34, v20;
	[tilespmem:s22+$0xFFFFFC30] =	vst v46  }
0x7c: {  	v52 =	vor.u32 v34, v21;
	[tilespmem:s22+$0xFFFFFC40] =	vst v47  }
0x7d: {  	v53 =	vor.u32 v34, v22;
	[tilespmem:s22+$0xFFFFFC50] =	vst v48  }
0x7e: {  	v54 =	vor.u32 v34, v23;
	[tilespmem:s22+$0xFFFFFC60] =	vst v49  }
0x7f: {  	v55 =	vor.u32 v34, v24;
	[tilespmem:s22+$0xFFFFFC70] =	vst v50  }
0x80: {  	v56 =	vor.u32 v34, v25;
	v37 =	vld.idx.msk [tilespmem:v51+s12+$0x0], $0xffff  }
0x81: {  	v57 =	vor.u32 v34, v26;
	v38 =	vld.idx.msk [tilespmem:v52+s12+$0x0], $0xffff  }
0x82: {  	v58 =	vor.u32 v34, v27;
	v39 =	vld.idx.msk [tilespmem:v53+s12+$0x0], $0xffff  }
0x83: {  	v59 =	vor.u32 v34, v28;
	v40 =	vld.idx.msk [tilespmem:v54+s12+$0x0], $0xffff  }
0x84: {  	v62 =	vor.u32 v34, v31;
	v41 =	vld.idx.msk [tilespmem:v55+s12+$0x0], $0xffff  }
0x85: {  	v63 =	vor.u32 v34, v32;
	v42 =	vld.idx.msk [tilespmem:v56+s12+$0x0], $0xffff  }
0x86: {  	v46 =	vor.u32 v34, v18;
	v43 =	vld.idx.msk [tilespmem:v57+s12+$0x0], $0xffff  }
0x87: {  	v47 =	vor.u32 v34, v19;
	v44 =	vld.idx.msk [tilespmem:v58+s12+$0x0], $0xffff  }
0x88: {  	v60 =	vor.u32 v34, v29;
	v45 =	vld.idx.msk [tilespmem:v59+s12+$0x0], $0xffff  }
0x89: {  	v61 =	vor.u32 v34, v30;
	v48 =	vld.idx.msk [tilespmem:v62+s12+$0x0], $0xffff  }
0x8a: {  	v34 =	vor.u32 v34, v33;
	v49 =	vld.idx.msk [tilespmem:v63+s12+$0x0], $0xffff  }
0x8b: {  	v35 =	vld.idx.msk [tilespmem:v46+s12+$0x0], $0xffff  }
0x8c: {  	v36 =	vld.idx.msk [tilespmem:v47+s12+$0x0], $0xffff  }
0x8d: {  	v46 =	vld.idx.msk [tilespmem:v60+s12+$0x0], $0xffff  }
0x8e: {  	v47 =	vld.idx.msk [tilespmem:v61+s12+$0x0], $0xffff  }
0x8f: {  	v34 =	vld.idx.msk [tilespmem:v34+s12+$0x0], $0xffff;
	[tilespmem:s22+$0x20] =	vst v37  }
0x90: {  	[tilespmem:s22+$0x30] =	vst v38  }
0x91: {  	[tilespmem:s22+$0x40] =	vst v39  }
0x92: {  	[tilespmem:s22+$0x50] =	vst v40  }
0x93: {  	[tilespmem:s22+$0x60] =	vst v41  }
0x94: {  	[tilespmem:s22+$0x70] =	vst v42  }
0x95: {  	[tilespmem:s22+$0x400] =	vst v43  }
0x96: {  	[tilespmem:s22+$0x410] =	vst v44  }
0x97: {  	[tilespmem:s22+$0x420] =	vst v45  }
0x98: {  	[tilespmem:s22+$0x450] =	vst v48  }
0x99: {  	p0 =	sne.s32 s23, $0x7;
	[tilespmem:s22+$0x460] =	vst v49  }
.Ltmp0:
0x9a: {  	[tilespmem:s22+$0x0] =	vst v35;
	(pc) =	sbr.rel @p0 .LBB2_2-.Ltmp0, $4  }
0x9b: {  	[tilespmem:s22+$0x10] =	vst v36  }
0x9c: {  	[tilespmem:s22+$0x430] =	vst v46  }
0x9d: {  	[tilespmem:s22+$0x440] =	vst v47  }
0x9e: {  	s23 =	sadd.s32 $0x1, s23;
	[tilespmem:s22+$0x470] =	vst v34;
	s22 =	sadd.s32 $0x80, s22  }
0x9f: {  	s22 =	simm.s32 $0x0  }
0xa0: {  	[hbm4b:s8+s22] =	stream.linear.scatter [tilespmem:s17], [sflag:$0x3], $0x1000, $0x38;
	[tilespmem:$0x4200] =	vst v63  }
0xa1: {  	_ =	swait.ge [sflag:s18], $0x1000  }
0xa2: {  	[sflag:s18] =	ssyncset.done $0x0  }
0xa3: {  	s23 =	simm.s32 $0x8;
	s24 =	simm.s32 $0x1000;
	[sflag:s18] =	ssyncadd.s32 $0xFFFFF000  }
.LBB2_4:
0xa4: {  	v34 =	vmov s23  }
0xa5: {  	v35 =	vshll.u32 v34, $0x9  }
0xa6: {  	v34 =	vshll.u32 v34, $0x7;
	v35 =	vand.u32 $0x1000, v35  }
0xa7: {  	v34 =	vand.u32 $0x380, v34;
	v36 =	vadd.s32 v2, v35  }
0xa8: {  	v37 =	vadd.s32 v3, v35;
	v36 =	vor.u32 v34, v36  }
0xa9: {  	v38 =	vadd.s32 v4, v35;
	v37 =	vor.u32 v34, v37  }
0xaa: {  	v39 =	vadd.s32 v5, v35;
	v38 =	vor.u32 v34, v38  }
0xab: {  	v40 =	vadd.s32 v6, v35;
	v39 =	vor.u32 v34, v39  }
0xac: {  	v41 =	vadd.s32 v7, v35;
	v40 =	vor.u32 v34, v40  }
0xad: {  	v42 =	vadd.s32 v8, v35;
	v41 =	vor.u32 v34, v41;
	v36 =	vld.idx.msk [tilespmem:v36+s12+$0x0], $0xffff  }
0xae: {  	v43 =	vadd.s32 v9, v35;
	v42 =	vor.u32 v34, v42;
	v37 =	vld.idx.msk [tilespmem:v37+s12+$0x0], $0xffff  }
0xaf: {  	v44 =	vadd.s32 v10, v35;
	v43 =	vor.u32 v34, v43;
	v38 =	vld.idx.msk [tilespmem:v38+s12+$0x0], $0xffff  }
0xb0: {  	v45 =	vadd.s32 v11, v35;
	v44 =	vor.u32 v34, v44;
	v39 =	vld.idx.msk [tilespmem:v39+s12+$0x0], $0xffff  }
0xb1: {  	v46 =	vadd.s32 v12, v35;
	v45 =	vor.u32 v34, v45;
	v40 =	vld.idx.msk [tilespmem:v40+s12+$0x0], $0xffff  }
0xb2: {  	v47 =	vadd.s32 v13, v35;
	v46 =	vor.u32 v34, v46;
	v41 =	vld.idx.msk [tilespmem:v41+s12+$0x0], $0xffff  }
0xb3: {  	v48 =	vadd.s32 v14, v35;
	v47 =	vor.u32 v34, v47;
	v42 =	vld.idx.msk [tilespmem:v42+s12+$0x0], $0xffff  }
0xb4: {  	v49 =	vadd.s32 v15, v35;
	v48 =	vor.u32 v34, v48;
	v43 =	vld.idx.msk [tilespmem:v43+s12+$0x0], $0xffff  }
0xb5: {  	v50 =	vadd.s32 v16, v35;
	v49 =	vor.u32 v34, v49;
	v44 =	vld.idx.msk [tilespmem:v44+s12+$0x0], $0xffff  }
0xb6: {  	v51 =	vadd.s32 v17, v35;
	v50 =	vor.u32 v34, v50;
	v45 =	vld.idx.msk [tilespmem:v45+s12+$0x0], $0xffff  }
0xb7: {  	v51 =	vor.u32 v34, v51;
	v46 =	vld.idx.msk [tilespmem:v46+s12+$0x0], $0xffff  }
0xb8: {  	v47 =	vld.idx.msk [tilespmem:v47+s12+$0x0], $0xffff  }
0xb9: {  	v48 =	vld.idx.msk [tilespmem:v48+s12+$0x0], $0xffff  }
0xba: {  	s25 =	sand.u32 $0x3FFFF000, s24;
	s26 =	sshra.s32 s22, $0x2;
	v49 =	vld.idx.msk [tilespmem:v49+s12+$0x0], $0xffff  }
0xbb: {  	s25 =	sadd.s32 s26, s25;
	v50 =	vld.idx.msk [tilespmem:v50+s12+$0x0], $0xffff  }
0xbc: {  	v51 =	vld.idx.msk [tilespmem:v51+s12+$0x0], $0xffff;
	[tilespmem:s25+$0x2200] =	vst v36  }
0xbd: {  	[tilespmem:s25+$0x2210] =	vst v37  }
0xbe: {  	[tilespmem:s25+$0x2220] =	vst v38  }
0xbf: {  	[tilespmem:s25+$0x2230] =	vst v39  }
0xc0: {  	[tilespmem:s25+$0x2240] =	vst v40  }
0xc1: {  	[tilespmem:s25+$0x2250] =	vst v41  }
0xc2: {  	[tilespmem:s25+$0x2260] =	vst v42  }
0xc3: {  	[tilespmem:s25+$0x2270] =	vst v43  }
0xc4: {  	[tilespmem:s25+$0x2600] =	vst v44  }
0xc5: {  	[tilespmem:s25+$0x2610] =	vst v45  }
0xc6: {  	v52 =	vadd.s32 v25, v35;
	[tilespmem:s25+$0x2620] =	vst v46  }
0xc7: {  	v53 =	vadd.s32 v26, v35;
	[tilespmem:s25+$0x2630] =	vst v47;
	v43 =	vor.u32 v34, v52  }
0xc8: {  	v45 =	vadd.s32 v18, v35;
	[tilespmem:s25+$0x2640] =	vst v48;
	v44 =	vor.u32 v34, v53  }
0xc9: {  	v46 =	vadd.s32 v19, v35;
	[tilespmem:s25+$0x2650] =	vst v49;
	v36 =	vor.u32 v34, v45  }
0xca: {  	v47 =	vadd.s32 v20, v35;
	[tilespmem:s25+$0x2660] =	vst v50;
	v37 =	vor.u32 v34, v46  }
0xcb: {  	v48 =	vadd.s32 v21, v35;
	[tilespmem:s25+$0x2670] =	vst v51;
	v38 =	vor.u32 v34, v47  }
0xcc: {  	v49 =	vadd.s32 v22, v35;
	v39 =	vor.u32 v34, v48;
	v43 =	vld.idx.msk [tilespmem:v43+s12+$0x0], $0xffff  }
0xcd: {  	v50 =	vadd.s32 v23, v35;
	v40 =	vor.u32 v34, v49;
	v44 =	vld.idx.msk [tilespmem:v44+s12+$0x0], $0xffff  }
0xce: {  	v51 =	vadd.s32 v24, v35;
	v41 =	vor.u32 v34, v50;
	v36 =	vld.idx.msk [tilespmem:v36+s12+$0x0], $0xffff  }
0xcf: {  	v54 =	vadd.s32 v27, v35;
	v42 =	vor.u32 v34, v51;
	v37 =	vld.idx.msk [tilespmem:v37+s12+$0x0], $0xffff  }
0xd0: {  	v55 =	vadd.s32 v28, v35;
	v45 =	vor.u32 v34, v54;
	v38 =	vld.idx.msk [tilespmem:v38+s12+$0x0], $0xffff  }
0xd1: {  	v56 =	vadd.s32 v29, v35;
	v46 =	vor.u32 v34, v55;
	v39 =	vld.idx.msk [tilespmem:v39+s12+$0x0], $0xffff  }
0xd2: {  	v57 =	vadd.s32 v30, v35;
	v47 =	vor.u32 v34, v56;
	v40 =	vld.idx.msk [tilespmem:v40+s12+$0x0], $0xffff  }
0xd3: {  	v58 =	vadd.s32 v31, v35;
	v48 =	vor.u32 v34, v57;
	v41 =	vld.idx.msk [tilespmem:v41+s12+$0x0], $0xffff  }
0xd4: {  	v59 =	vadd.s32 v32, v35;
	v49 =	vor.u32 v34, v58;
	v42 =	vld.idx.msk [tilespmem:v42+s12+$0x0], $0xffff  }
0xd5: {  	v35 =	vadd.s32 v33, v35;
	v50 =	vor.u32 v34, v59;
	v45 =	vld.idx.msk [tilespmem:v45+s12+$0x0], $0xffff  }
0xd6: {  	v34 =	vor.u32 v34, v35;
	v46 =	vld.idx.msk [tilespmem:v46+s12+$0x0], $0xffff  }
0xd7: {  	v60 =	vld.idx.msk [tilespmem:v47+s12+$0x0], $0xffff  }
0xd8: {  	v61 =	vld.idx.msk [tilespmem:v48+s12+$0x0], $0xffff  }
0xd9: {  	v62 =	vld.idx.msk [tilespmem:v49+s12+$0x0], $0xffff  }
0xda: {  	v63 =	vld.idx.msk [tilespmem:v50+s12+$0x0], $0xffff  }
0xdb: {  	v34 =	vld.idx.msk [tilespmem:v34+s12+$0x0], $0xffff;
	[tilespmem:s25+$0x2A70] =	vst v43  }
0xdc: {  	[tilespmem:s25+$0x2E00] =	vst v44  }
0xdd: {  	[tilespmem:s25+$0x2A00] =	vst v36  }
0xde: {  	[tilespmem:s25+$0x2A10] =	vst v37  }
0xdf: {  	[tilespmem:s25+$0x2A20] =	vst v38  }
0xe0: {  	[tilespmem:s25+$0x2A30] =	vst v39  }
0xe1: {  	[tilespmem:s25+$0x2A40] =	vst v40  }
0xe2: {  	[tilespmem:s25+$0x2A50] =	vst v41  }
0xe3: {  	[tilespmem:s25+$0x2A60] =	vst v42  }
0xe4: {  	[tilespmem:s25+$0x2E10] =	vst v45  }
0xe5: {  	p0 =	sne.s32 s22, $0xE00;
	[tilespmem:s25+$0x2E20] =	vst v46  }
.Ltmp1:
0xe6: {  	[tilespmem:s25+$0x2E30] =	vst v60;
	(pc) =	sbr.rel @p0 .LBB2_4-.Ltmp1, $4  }
0xe7: {  	[tilespmem:s25+$0x2E40] =	vst v61  }
0xe8: {  	[tilespmem:s25+$0x2E50] =	vst v62  }
0xe9: {  	[tilespmem:s25+$0x2E60] =	vst v63  }
0xea: {  	s23 =	sadd.s32 $0x1, s23;
	s24 =	sadd.s32 $0x200, s24;
	s22 =	sadd.s32 $0x200, s22;
	[tilespmem:s25+$0x2E70] =	vst v34  }
0xeb: {  	[hbm4b:s9+s3] =	stream.linear.scatter [tilespmem:s19], [sflag:$0x4], $0x1000, $0x38;
	[tilespmem:$0x4200] =	vst v63  }
0xec: {  	s21 =	sadd.s32 $0x1, s21  }
0xed: {  	_ =	swait.ge [sflag:s11], $0x1000;
	p0 =	sne.s32 s21, s10  }
.Ltmp2:
0xee: {  	[sflag:s11] =	ssyncset.done $0x0;
	(pc) =	sbr.rel @p0 .LBB2_1-.Ltmp2, $4  }
0xef: {  	[sflag:s11] =	ssyncadd.s32 $0xFFFFF000  }
0xf0: {  	_ =	swait.ge [sflag:s20], $0x1000  }
0xf1: {  	[sflag:s20] =	ssyncset.done $0x0  }
0xf2: {  	[sflag:s20] =	ssyncadd.s32 $0xFFFFF000  }
0xf3: {  	_ =	sfence.sel $0x180000  }
0xf4: {  	[bflag:$0x0] =	sbarrier.arrive $0xFFFF  }
0xf5: {  	p0 =	sne.s32 s2, $0x0;
	_ =	strace $0x90000047  }
0xf6: {  	s0 =	sadd.s32 @!p0 $0x100000, s0;
	[bflag:$0x2] =	sbarrier.arrive $0xFFFF  }
0xf7: {  	[sflag:s0] =	ssyncadd.tile.s32 @!p0 $0x1;
	_ =	shalt  }
.Lfunc_end2:
_tile_overlayer_lowered:
.L_overlay_start_2:
0xf8: {  	(tag) =	ssettag $0x2  }
0xf9: {  	s0 =	rddreg [dreg:$0x0];
	s2 =	stileid.u32  }
0xfa: {  	s1 =	rddreg [dreg:$0x1];
	p0 =	sne.s32 s2, $0x0  }
0xfb: {  	s3 =	rddreg [dreg:$0x2];
	[bflag:$0x3] =	sbarrier.arrive $0xFFFF;
	s2 =	simm.s32 @!p0 $0x1C04  }
0xfc: {  	[timem:s3], [sflag:s2] =	dma.local @!p0 [hbm:s0], s1  }
0xfd: {  	s0 =	simm.s32 @!p0 $0x4  }
0xfe: {  	_ =	swait.ge @!p0 [sflag:s0], s1  }
0xff: {  	s1 =	ssub.s32 @!p0 $0x0, s1;
	[sflag:s0] =	ssyncset.done @!p0 $0x0  }
0x100: {  	[sflag:s0] =	ssyncadd.s32 @!p0 s1  }
0x101: {  	[bflag:$0x3] =	sbarrier.arrive $0xFFFF  }
0x102: {  	_ =	shalt  }

</sc_bundles>
